<compile_context>
chip_gen: v7x
topology: tpu7x:2x2x1
jax: 0.10.2.dev20260603
libtpu: 0.0.44.dev20260713+nightly
codegen_flags: <defaults>
</compile_context>

<pallas_src>
import functools

import jax
import jax.numpy as jnp
from jax import lax
from jax.experimental import pallas as pl
from jax.experimental.pallas import tpu as pltpu
from jax.experimental.pallas import tpu_sc as plsc

_LANES = 16
_NBUF = 2


@functools.cache
def _build(n_nodes: int, n_edges: int, d_feat: int):
    info = plsc.get_sparse_core_info()
    nc, ns = info.num_cores, info.num_subcores
    nw = nc * ns
    assert n_edges % nw == 0
    per_w = n_edges // nw
    rows_per_s = (n_nodes // ns) // 8 * 8
    rows_rem = n_nodes - ns * rows_per_s
    assert rows_rem % 8 == 0
    chunk = 40
    assert per_w % chunk == 0
    n_chunks = per_w // chunk
    assert n_chunks % _NBUF == 0
    n_vec = d_feat // _LANES

    mesh = plsc.VectorSubcoreMesh(core_axis_name="c", subcore_axis_name="s")

    @functools.partial(
        pl.kernel,
        mesh=mesh,
        out_type=jax.ShapeDtypeStruct((n_edges, d_feat), jnp.float32),
        scratch_types=[
            pltpu.VMEM_SHARED((n_nodes, d_feat), jnp.float32),
            pltpu.VMEM((per_w,), jnp.int32),
            pltpu.VMEM((per_w,), jnp.int32),
            pltpu.VMEM((_NBUF, chunk, d_feat), jnp.float32),
            pltpu.VMEM((_NBUF, chunk, d_feat), jnp.float32),
            pltpu.VMEM((_NBUF, chunk, d_feat), jnp.float32),
            pltpu.SemaphoreType.DMA((_NBUF,)),
            pltpu.SemaphoreType.DMA((_NBUF,)),
        ],
    )
    def edge_diff(x_hbm, src_hbm, dst_hbm, out_hbm,
                  xs_sh, src_v, dst_v, a_v, b_v, o_v, sem_g, sem_o):
        sid = lax.axis_index("s")
        wid = sid * nc + lax.axis_index("c")
        base = wid * per_w

        row0 = sid * rows_per_s
        pltpu.sync_copy(x_hbm.at[pl.ds(row0, rows_per_s)],
                        xs_sh.at[pl.ds(row0, rows_per_s)])
        if rows_rem:
            @pl.when(sid == ns - 1)
            def _stage_rem():
                pltpu.sync_copy(
                    x_hbm.at[pl.ds(ns * rows_per_s, rows_rem)],
                    xs_sh.at[pl.ds(ns * rows_per_s, rows_rem)])
        pltpu.sync_copy(src_hbm.at[pl.ds(base, per_w)], src_v)
        pltpu.sync_copy(dst_hbm.at[pl.ds(base, per_w)], dst_v)
        plsc.subcore_barrier()

        def start_gathers(c, b):
            pltpu.async_copy(
                xs_sh.at[src_v.at[pl.ds(c * chunk, chunk)]], a_v.at[b],
                sem_g.at[b])
            pltpu.async_copy(
                xs_sh.at[dst_v.at[pl.ds(c * chunk, chunk)]], b_v.at[b],
                sem_g.at[b])

        for b in range(_NBUF):
            start_gathers(b, b)

        idx0 = src_v.at[pl.ds(0, chunk)]

        def do_group(g, carry):
            for b in range(_NBUF):
                c = g * _NBUF + b
                off = base + c * chunk
                pltpu.make_async_copy(
                    xs_sh.at[idx0], a_v.at[b], sem_g.at[b]).wait()
                pltpu.make_async_copy(
                    xs_sh.at[idx0], b_v.at[b], sem_g.at[b]).wait()

                @pl.when(g > 0)
                def _wait_out():
                    pltpu.make_async_copy(
                        o_v.at[b], out_hbm.at[pl.ds(off, chunk)],
                        sem_o.at[b]).wait()

                @plsc.parallel_loop(0, chunk, unroll=4)
                def _sub(r):
                    for v in range(n_vec):
                        sl = pl.ds(v * _LANES, _LANES)
                        o_v[b, r, sl] = a_v[b, r, sl] - b_v[b, r, sl]

                pltpu.async_copy(
                    o_v.at[b], out_hbm.at[pl.ds(off, chunk)], sem_o.at[b])

                @pl.when(c + _NBUF < n_chunks)
                def _prefetch():
                    start_gathers(c + _NBUF, b)
            return carry

        lax.fori_loop(0, n_chunks // _NBUF, do_group, 0)

        for b in range(_NBUF):
            off = base + (n_chunks - _NBUF + b) * chunk
            pltpu.make_async_copy(
                o_v.at[b], out_hbm.at[pl.ds(off, chunk)], sem_o.at[b]).wait()

    return edge_diff


def kernel(x, edge_index):
    ei = edge_index.astype(jnp.int32)
    fn = _build(x.shape[0], ei.shape[1], x.shape[1])
    return fn(x, ei[0], ei[1])

# --- scband reference (transcript-rebuilt; emitter-appended) ---
"""Pipeline reference for scband-siamese-node-features-to-edge-features-49512382988499 (READ-ONLY COPY).

The authoritative reference and input builder live on the scoring server;
editing this copy changes nothing except your own understanding.
"""

import jax, jax.numpy as jnp
import numpy as np

N_NODES = 10000
N_EDGES = 320000
D_FEAT = 128


def setup_inputs(seed: int = 0) -> dict:
    key = jax.random.key(seed)
    k1, k2 = jax.random.split(key)
    x = jax.random.normal(k1, (N_NODES, D_FEAT), dtype=jnp.float32)
    edge_index = jax.random.randint(k2, (2, N_EDGES), 0, N_NODES, dtype=jnp.int64)
    return {"x": x, "edge_index": edge_index}


def reference(x, edge_index):
    # Faithful translation of vertex_attr_to_edge_attr:
    # flat_edges = edge_index.transpose(0,1).reshape(-1)
    flat_edges = jnp.transpose(edge_index, (1, 0)).reshape(-1)
    # vertex_attrs = index_select(x, 0, flat_edges)
    vertex_attrs = jnp.take(x, flat_edges, axis=0)
    # reshape to (E, 2, d) then transpose(0,1) -> (2, E, d)
    new_shape = (edge_index.shape[1], 2, vertex_attrs.shape[1])
    vertex_attrs_reshaped = jnp.transpose(vertex_attrs.reshape(new_shape), (1, 0, 2))
    new_edge_attrs = vertex_attrs_reshaped[0] - vertex_attrs_reshaped[1]
    return new_edge_attrs

if __name__ == "__main__":
    import jax
    _d = setup_inputs()
    print(jax.jit(kernel)(*tuple(_d.values())))

</pallas_src>

<mosaic_0001>
#map = affine_map<(d0, d1) -> (0, 0)>
#map1 = affine_map<(d0, d1) -> (0)>
module attributes {stable_mosaic.version = 14 : i64} {
  func.func @edge_diff(%arg0: i32, %arg1: i32, %arg2: memref<10000x128xf32, #tpu.memory_space<hbm>>, %arg3: memref<320000xi32, #tpu.memory_space<hbm>>, %arg4: memref<320000xi32, #tpu.memory_space<hbm>>, %arg5: memref<320000x128xf32, #tpu.memory_space<hbm>>, %arg6: memref<10000x128xf32, #tpu.memory_space<vmem_shared>>, %arg7: memref<10000xi32, #tpu.memory_space<vmem>>, %arg8: memref<10000xi32, #tpu.memory_space<vmem>>, %arg9: memref<2x40x128xf32, #tpu.memory_space<vmem>>, %arg10: memref<2x40x128xf32, #tpu.memory_space<vmem>>, %arg11: memref<2x40x128xf32, #tpu.memory_space<vmem>>, %arg12: memref<2x!tpu.dma_semaphore, #tpu.memory_space<semaphore_mem>>, %arg13: memref<2x!tpu.dma_semaphore, #tpu.memory_space<semaphore_mem>>) attributes {dimension_semantics = [#tpu.dimension_semantics<core_parallel>, #tpu.dimension_semantics<subcore_parallel>], iteration_bounds = array<i64: 2, 16>, scalar_prefetch = 0 : i64, scratch_operands = 8 : i64, tpu.core_type = #tpu.core_type<sc_vector_subcore>, window_params = [{transform_indices = #map}, {transform_indices = #map1}, {transform_indices = #map1}, {transform_indices = #map}]} {
    %mul3A = arith.constant 2 : i32
    %mul3A_0 = arith.muli %arg1, %mul3A : i32
    %add3A = arith.addi %mul3A_0, %arg0 : i32
    %mul3A_1 = arith.constant 10000 : i32
    %mul3A_2 = arith.muli %add3A, %mul3A_1 : i32
    %mul3A_3 = arith.constant 624 : i32
    %mul3A_4 = arith.muli %arg1, %mul3A_3 : i32
    "tpu.region"() ({
      %run_scoped3A = tpu.sem_alloc : memref<!tpu.dma_semaphore, #tpu.memory_space<semaphore_mem>>
      %dma_start3A_98 = arith.constant 0 : i32
      %dma_start3A_99 = tpu.memref_slice %arg6[%mul3A_4, %dma_start3A_98] : memref<10000x128xf32, #tpu.memory_space<vmem_shared>> -> memref<624x128xf32, #tpu.memory_space<vmem_shared>>
      %dma_start3A_100 = arith.constant 0 : i32
      %dma_start3A_101 = tpu.memref_slice %arg2[%mul3A_4, %dma_start3A_100] : memref<10000x128xf32, #tpu.memory_space<hbm>> -> memref<624x128xf32, #tpu.memory_space<hbm>>
      tpu.enqueue_dma source(%dma_start3A_101 : memref<624x128xf32, #tpu.memory_space<hbm>>) target(%dma_start3A_99 : memref<624x128xf32, #tpu.memory_space<vmem_shared>>) target_semaphore(%run_scoped3A : memref<!tpu.dma_semaphore, #tpu.memory_space<semaphore_mem>>)
      %dma_wait3A_102 = arith.constant 0 : i32
      %dma_wait3A_103 = tpu.memref_slice %arg6[%mul3A_4, %dma_wait3A_102] : memref<10000x128xf32, #tpu.memory_space<vmem_shared>> -> memref<624x128xf32, #tpu.memory_space<vmem_shared>>
      %dma_wait3A_104 = arith.constant 0 : i32
      %dma_wait3A_105 = tpu.memref_slice %arg2[%mul3A_4, %dma_wait3A_104] : memref<10000x128xf32, #tpu.memory_space<hbm>> -> memref<624x128xf32, #tpu.memory_space<hbm>>
      tpu.wait_dma2 semaphore(%run_scoped3A : memref<!tpu.dma_semaphore, #tpu.memory_space<semaphore_mem>>) src(%dma_wait3A_105 : memref<624x128xf32, #tpu.memory_space<hbm>>) dst(%dma_wait3A_103 : memref<624x128xf32, #tpu.memory_space<vmem_shared>>)
      tpu.yield
    }) : () -> ()
    %eq3A = arith.constant 15 : i32
    %eq3A_5 = arith.cmpi eq, %arg1, %eq3A : i32
    %convert_element_type3A = arith.extui %eq3A_5 : i1 to i32
    %cond3A = arith.constant 0 : i32
    %cond3A_6 = arith.cmpi ne, %convert_element_type3A, %cond3A : i32
    scf.if %cond3A_6 {
      "tpu.region"() ({
        %run_scoped3A = tpu.sem_alloc : memref<!tpu.dma_semaphore, #tpu.memory_space<semaphore_mem>>
        %dma_start3A_98 = arith.constant 9984 : i32
        %dma_start3A_99 = arith.constant 0 : i32
        %dma_start3A_100 = tpu.memref_slice %arg6[%dma_start3A_98, %dma_start3A_99] : memref<10000x128xf32, #tpu.memory_space<vmem_shared>> -> memref<16x128xf32, #tpu.memory_space<vmem_shared>>
        %dma_start3A_101 = arith.constant 9984 : i32
        %dma_start3A_102 = arith.constant 0 : i32
        %dma_start3A_103 = tpu.memref_slice %arg2[%dma_start3A_101, %dma_start3A_102] : memref<10000x128xf32, #tpu.memory_space<hbm>> -> memref<16x128xf32, #tpu.memory_space<hbm>>
        tpu.enqueue_dma source(%dma_start3A_103 : memref<16x128xf32, #tpu.memory_space<hbm>>) target(%dma_start3A_100 : memref<16x128xf32, #tpu.memory_space<vmem_shared>>) target_semaphore(%run_scoped3A : memref<!tpu.dma_semaphore, #tpu.memory_space<semaphore_mem>>)
        %dma_wait3A_104 = arith.constant 9984 : i32
        %dma_wait3A_105 = arith.constant 0 : i32
        %dma_wait3A_106 = tpu.memref_slice %arg6[%dma_wait3A_104, %dma_wait3A_105] : memref<10000x128xf32, #tpu.memory_space<vmem_shared>> -> memref<16x128xf32, #tpu.memory_space<vmem_shared>>
        %dma_wait3A_107 = arith.constant 9984 : i32
        %dma_wait3A_108 = arith.constant 0 : i32
        %dma_wait3A_109 = tpu.memref_slice %arg2[%dma_wait3A_107, %dma_wait3A_108] : memref<10000x128xf32, #tpu.memory_space<hbm>> -> memref<16x128xf32, #tpu.memory_space<hbm>>
        tpu.wait_dma2 semaphore(%run_scoped3A : memref<!tpu.dma_semaphore, #tpu.memory_space<semaphore_mem>>) src(%dma_wait3A_109 : memref<16x128xf32, #tpu.memory_space<hbm>>) dst(%dma_wait3A_106 : memref<16x128xf32, #tpu.memory_space<vmem_shared>>)
        tpu.yield
      }) : () -> ()
    } else {
    }
    "tpu.region"() ({
      %run_scoped3A = tpu.sem_alloc : memref<!tpu.dma_semaphore, #tpu.memory_space<semaphore_mem>>
      %dma_start3A_98 = tpu.memref_slice %arg3[%mul3A_2] : memref<320000xi32, #tpu.memory_space<hbm>> -> memref<10000xi32, #tpu.memory_space<hbm>>
      %dma_start3A_99 = tpu.memref_slice %arg3[%mul3A_2] : memref<320000xi32, #tpu.memory_space<hbm>> -> memref<10000xi32, #tpu.memory_space<hbm>>
      tpu.enqueue_dma source(%dma_start3A_99 : memref<10000xi32, #tpu.memory_space<hbm>>) target(%arg7 : memref<10000xi32, #tpu.memory_space<vmem>>) target_semaphore(%run_scoped3A : memref<!tpu.dma_semaphore, #tpu.memory_space<semaphore_mem>>)
      %dma_wait3A_100 = tpu.memref_slice %arg3[%mul3A_2] : memref<320000xi32, #tpu.memory_space<hbm>> -> memref<10000xi32, #tpu.memory_space<hbm>>
      %dma_wait3A_101 = tpu.memref_slice %arg3[%mul3A_2] : memref<320000xi32, #tpu.memory_space<hbm>> -> memref<10000xi32, #tpu.memory_space<hbm>>
      tpu.wait_dma2 semaphore(%run_scoped3A : memref<!tpu.dma_semaphore, #tpu.memory_space<semaphore_mem>>) src(%dma_wait3A_101 : memref<10000xi32, #tpu.memory_space<hbm>>) dst(%arg7 : memref<10000xi32, #tpu.memory_space<vmem>>)
      tpu.yield
    }) : () -> ()
    "tpu.region"() ({
      %run_scoped3A = tpu.sem_alloc : memref<!tpu.dma_semaphore, #tpu.memory_space<semaphore_mem>>
      %dma_start3A_98 = tpu.memref_slice %arg4[%mul3A_2] : memref<320000xi32, #tpu.memory_space<hbm>> -> memref<10000xi32, #tpu.memory_space<hbm>>
      %dma_start3A_99 = tpu.memref_slice %arg4[%mul3A_2] : memref<320000xi32, #tpu.memory_space<hbm>> -> memref<10000xi32, #tpu.memory_space<hbm>>
      tpu.enqueue_dma source(%dma_start3A_99 : memref<10000xi32, #tpu.memory_space<hbm>>) target(%arg8 : memref<10000xi32, #tpu.memory_space<vmem>>) target_semaphore(%run_scoped3A : memref<!tpu.dma_semaphore, #tpu.memory_space<semaphore_mem>>)
      %dma_wait3A_100 = tpu.memref_slice %arg4[%mul3A_2] : memref<320000xi32, #tpu.memory_space<hbm>> -> memref<10000xi32, #tpu.memory_space<hbm>>
      %dma_wait3A_101 = tpu.memref_slice %arg4[%mul3A_2] : memref<320000xi32, #tpu.memory_space<hbm>> -> memref<10000xi32, #tpu.memory_space<hbm>>
      tpu.wait_dma2 semaphore(%run_scoped3A : memref<!tpu.dma_semaphore, #tpu.memory_space<semaphore_mem>>) src(%dma_wait3A_101 : memref<10000xi32, #tpu.memory_space<hbm>>) dst(%arg8 : memref<10000xi32, #tpu.memory_space<vmem>>)
      tpu.yield
    }) : () -> ()
    %barrier3A = arith.constant 0 : index
    tpu.barrier barrier_id(%barrier3A)
    %dma_start3A = arith.constant 0 : i32
    %dma_start3A_7 = arith.constant 0 : i32
    %dma_start3A_8 = arith.constant 0 : i32
    %dma_start3A_9 = arith.constant 0 : i32
    %dma_start3A_10 = tpu.memref_slice %arg9[%dma_start3A, %dma_start3A_8, %dma_start3A_9] : memref<2x40x128xf32, #tpu.memory_space<vmem>> -> memref<1x40x128xf32, #tpu.memory_space<vmem>>
    %dma_start3A_11 = tpu.memref_squeeze %dma_start3A_10 : memref<1x40x128xf32, #tpu.memory_space<vmem>> -> memref<40x128xf32, #tpu.memory_space<vmem>>
    %dma_start3A_12 = arith.constant 0 : i32
    %dma_start3A_13 = tpu.memref_slice %arg7[%dma_start3A_12] : memref<10000xi32, #tpu.memory_space<vmem>> -> memref<40xi32, #tpu.memory_space<vmem>>
    %dma_start3A_14 = arith.constant 0 : i32
    %dma_start3A_15 = arith.constant 0 : i32
    %dma_start3A_16 = tpu.memref_slice %arg6[%dma_start3A_14, %dma_start3A_15] : memref<10000x128xf32, #tpu.memory_space<vmem_shared>> -> memref<10000x128xf32, #tpu.memory_space<vmem_shared>>
    %dma_start3A_17 = tpu.memref_slice %arg12[%dma_start3A_7] : memref<2x!tpu.dma_semaphore, #tpu.memory_space<semaphore_mem>> -> memref<1x!tpu.dma_semaphore, #tpu.memory_space<semaphore_mem>>
    %dma_start3A_18 = tpu.memref_squeeze %dma_start3A_17 : memref<1x!tpu.dma_semaphore, #tpu.memory_space<semaphore_mem>> -> memref<!tpu.dma_semaphore, #tpu.memory_space<semaphore_mem>>
    tpu.enqueue_indirect_dma source(%dma_start3A_16 : memref<10000x128xf32, #tpu.memory_space<vmem_shared>>) target(%dma_start3A_11 : memref<40x128xf32, #tpu.memory_space<vmem>>) offsets(%dma_start3A_13 : memref<40xi32, #tpu.memory_space<vmem>>) semaphore(%dma_start3A_18 : memref<!tpu.dma_semaphore, #tpu.memory_space<semaphore_mem>>)
    %dma_start3A_19 = arith.constant 0 : i32
    %dma_start3A_20 = arith.constant 0 : i32
    %dma_start3A_21 = arith.constant 0 : i32
    %dma_start3A_22 = arith.constant 0 : i32
    %dma_start3A_23 = tpu.memref_slice %arg10[%dma_start3A_19, %dma_start3A_21, %dma_start3A_22] : memref<2x40x128xf32, #tpu.memory_space<vmem>> -> memref<1x40x128xf32, #tpu.memory_space<vmem>>
    %dma_start3A_24 = tpu.memref_squeeze %dma_start3A_23 : memref<1x40x128xf32, #tpu.memory_space<vmem>> -> memref<40x128xf32, #tpu.memory_space<vmem>>
    %dma_start3A_25 = arith.constant 0 : i32
    %dma_start3A_26 = tpu.memref_slice %arg8[%dma_start3A_25] : memref<10000xi32, #tpu.memory_space<vmem>> -> memref<40xi32, #tpu.memory_space<vmem>>
    %dma_start3A_27 = arith.constant 0 : i32
    %dma_start3A_28 = arith.constant 0 : i32
    %dma_start3A_29 = tpu.memref_slice %arg6[%dma_start3A_27, %dma_start3A_28] : memref<10000x128xf32, #tpu.memory_space<vmem_shared>> -> memref<10000x128xf32, #tpu.memory_space<vmem_shared>>
    %dma_start3A_30 = tpu.memref_slice %arg12[%dma_start3A_20] : memref<2x!tpu.dma_semaphore, #tpu.memory_space<semaphore_mem>> -> memref<1x!tpu.dma_semaphore, #tpu.memory_space<semaphore_mem>>
    %dma_start3A_31 = tpu.memref_squeeze %dma_start3A_30 : memref<1x!tpu.dma_semaphore, #tpu.memory_space<semaphore_mem>> -> memref<!tpu.dma_semaphore, #tpu.memory_space<semaphore_mem>>
    tpu.enqueue_indirect_dma source(%dma_start3A_29 : memref<10000x128xf32, #tpu.memory_space<vmem_shared>>) target(%dma_start3A_24 : memref<40x128xf32, #tpu.memory_space<vmem>>) offsets(%dma_start3A_26 : memref<40xi32, #tpu.memory_space<vmem>>) semaphore(%dma_start3A_31 : memref<!tpu.dma_semaphore, #tpu.memory_space<semaphore_mem>>)
    %dma_start3A_32 = arith.constant 1 : i32
    %dma_start3A_33 = arith.constant 1 : i32
    %dma_start3A_34 = arith.constant 0 : i32
    %dma_start3A_35 = arith.constant 0 : i32
    %dma_start3A_36 = tpu.memref_slice %arg9[%dma_start3A_32, %dma_start3A_34, %dma_start3A_35] : memref<2x40x128xf32, #tpu.memory_space<vmem>> -> memref<1x40x128xf32, #tpu.memory_space<vmem>>
    %dma_start3A_37 = tpu.memref_squeeze %dma_start3A_36 : memref<1x40x128xf32, #tpu.memory_space<vmem>> -> memref<40x128xf32, #tpu.memory_space<vmem>>
    %dma_start3A_38 = arith.constant 40 : i32
    %dma_start3A_39 = tpu.memref_slice %arg7[%dma_start3A_38] : memref<10000xi32, #tpu.memory_space<vmem>> -> memref<40xi32, #tpu.memory_space<vmem>>
    %dma_start3A_40 = arith.constant 0 : i32
    %dma_start3A_41 = arith.constant 0 : i32
    %dma_start3A_42 = tpu.memref_slice %arg6[%dma_start3A_40, %dma_start3A_41] : memref<10000x128xf32, #tpu.memory_space<vmem_shared>> -> memref<10000x128xf32, #tpu.memory_space<vmem_shared>>
    %dma_start3A_43 = tpu.memref_slice %arg12[%dma_start3A_33] : memref<2x!tpu.dma_semaphore, #tpu.memory_space<semaphore_mem>> -> memref<1x!tpu.dma_semaphore, #tpu.memory_space<semaphore_mem>>
    %dma_start3A_44 = tpu.memref_squeeze %dma_start3A_43 : memref<1x!tpu.dma_semaphore, #tpu.memory_space<semaphore_mem>> -> memref<!tpu.dma_semaphore, #tpu.memory_space<semaphore_mem>>
    tpu.enqueue_indirect_dma source(%dma_start3A_42 : memref<10000x128xf32, #tpu.memory_space<vmem_shared>>) target(%dma_start3A_37 : memref<40x128xf32, #tpu.memory_space<vmem>>) offsets(%dma_start3A_39 : memref<40xi32, #tpu.memory_space<vmem>>) semaphore(%dma_start3A_44 : memref<!tpu.dma_semaphore, #tpu.memory_space<semaphore_mem>>)
    %dma_start3A_45 = arith.constant 1 : i32
    %dma_start3A_46 = arith.constant 1 : i32
    %dma_start3A_47 = arith.constant 0 : i32
    %dma_start3A_48 = arith.constant 0 : i32
    %dma_start3A_49 = tpu.memref_slice %arg10[%dma_start3A_45, %dma_start3A_47, %dma_start3A_48] : memref<2x40x128xf32, #tpu.memory_space<vmem>> -> memref<1x40x128xf32, #tpu.memory_space<vmem>>
    %dma_start3A_50 = tpu.memref_squeeze %dma_start3A_49 : memref<1x40x128xf32, #tpu.memory_space<vmem>> -> memref<40x128xf32, #tpu.memory_space<vmem>>
    %dma_start3A_51 = arith.constant 40 : i32
    %dma_start3A_52 = tpu.memref_slice %arg8[%dma_start3A_51] : memref<10000xi32, #tpu.memory_space<vmem>> -> memref<40xi32, #tpu.memory_space<vmem>>
    %dma_start3A_53 = arith.constant 0 : i32
    %dma_start3A_54 = arith.constant 0 : i32
    %dma_start3A_55 = tpu.memref_slice %arg6[%dma_start3A_53, %dma_start3A_54] : memref<10000x128xf32, #tpu.memory_space<vmem_shared>> -> memref<10000x128xf32, #tpu.memory_space<vmem_shared>>
    %dma_start3A_56 = tpu.memref_slice %arg12[%dma_start3A_46] : memref<2x!tpu.dma_semaphore, #tpu.memory_space<semaphore_mem>> -> memref<1x!tpu.dma_semaphore, #tpu.memory_space<semaphore_mem>>
    %dma_start3A_57 = tpu.memref_squeeze %dma_start3A_56 : memref<1x!tpu.dma_semaphore, #tpu.memory_space<semaphore_mem>> -> memref<!tpu.dma_semaphore, #tpu.memory_space<semaphore_mem>>
    tpu.enqueue_indirect_dma source(%dma_start3A_55 : memref<10000x128xf32, #tpu.memory_space<vmem_shared>>) target(%dma_start3A_50 : memref<40x128xf32, #tpu.memory_space<vmem>>) offsets(%dma_start3A_52 : memref<40xi32, #tpu.memory_space<vmem>>) semaphore(%dma_start3A_57 : memref<!tpu.dma_semaphore, #tpu.memory_space<semaphore_mem>>)
    %scan3A = arith.constant 0 : i32
    %scan3A_58 = arith.constant 0 : i32
    %scan3A_59 = arith.constant 125 : i32
    %scan3A_60 = arith.addi %scan3A_58, %scan3A_59 : i32
    %scan3A_61 = arith.constant 1 : i32
    scf.for %scan3A_98 = %scan3A_58 to %scan3A_60 step %scan3A_61  : i32 {
      %mul3A_99 = arith.constant 2 : i32
      %mul3A_100 = arith.muli %scan3A_98, %mul3A_99 : i32
      %add3A_101 = arith.constant 0 : i32
      %add3A_102 = arith.addi %mul3A_100, %add3A_101 : i32
      %mul3A_103 = arith.constant 40 : i32
      %mul3A_104 = arith.muli %add3A_102, %mul3A_103 : i32
      %add3A_105 = arith.addi %mul3A_2, %mul3A_104 : i32
      %dma_wait3A_106 = arith.constant 0 : i32
      %dma_wait3A_107 = arith.constant 0 : i32
      %dma_wait3A_108 = arith.constant 0 : i32
      %dma_wait3A_109 = arith.constant 0 : i32
      %dma_wait3A_110 = tpu.memref_slice %arg9[%dma_wait3A_106, %dma_wait3A_108, %dma_wait3A_109] : memref<2x40x128xf32, #tpu.memory_space<vmem>> -> memref<1x40x128xf32, #tpu.memory_space<vmem>>
      %dma_wait3A_111 = tpu.memref_squeeze %dma_wait3A_110 : memref<1x40x128xf32, #tpu.memory_space<vmem>> -> memref<40x128xf32, #tpu.memory_space<vmem>>
      %dma_wait3A_112 = arith.constant 0 : i32
      %dma_wait3A_113 = tpu.memref_slice %arg7[%dma_wait3A_112] : memref<10000xi32, #tpu.memory_space<vmem>> -> memref<40xi32, #tpu.memory_space<vmem>>
      %dma_wait3A_114 = arith.constant 0 : i32
      %dma_wait3A_115 = arith.constant 0 : i32
      %dma_wait3A_116 = tpu.memref_slice %arg6[%dma_wait3A_114, %dma_wait3A_115] : memref<10000x128xf32, #tpu.memory_space<vmem_shared>> -> memref<10000x128xf32, #tpu.memory_space<vmem_shared>>
      %dma_wait3A_117 = tpu.memref_slice %arg12[%dma_wait3A_107] : memref<2x!tpu.dma_semaphore, #tpu.memory_space<semaphore_mem>> -> memref<1x!tpu.dma_semaphore, #tpu.memory_space<semaphore_mem>>
      %dma_wait3A_118 = tpu.memref_squeeze %dma_wait3A_117 : memref<1x!tpu.dma_semaphore, #tpu.memory_space<semaphore_mem>> -> memref<!tpu.dma_semaphore, #tpu.memory_space<semaphore_mem>>
      tpu.wait_indirect_dma semaphore(%dma_wait3A_118 : memref<!tpu.dma_semaphore, #tpu.memory_space<semaphore_mem>>) src(%dma_wait3A_116 : memref<10000x128xf32, #tpu.memory_space<vmem_shared>>) dst(%dma_wait3A_111 : memref<40x128xf32, #tpu.memory_space<vmem>>)
      %dma_wait3A_119 = arith.constant 0 : i32
      %dma_wait3A_120 = arith.constant 0 : i32
      %dma_wait3A_121 = arith.constant 0 : i32
      %dma_wait3A_122 = arith.constant 0 : i32
      %dma_wait3A_123 = tpu.memref_slice %arg10[%dma_wait3A_119, %dma_wait3A_121, %dma_wait3A_122] : memref<2x40x128xf32, #tpu.memory_space<vmem>> -> memref<1x40x128xf32, #tpu.memory_space<vmem>>
      %dma_wait3A_124 = tpu.memref_squeeze %dma_wait3A_123 : memref<1x40x128xf32, #tpu.memory_space<vmem>> -> memref<40x128xf32, #tpu.memory_space<vmem>>
      %dma_wait3A_125 = arith.constant 0 : i32
      %dma_wait3A_126 = tpu.memref_slice %arg7[%dma_wait3A_125] : memref<10000xi32, #tpu.memory_space<vmem>> -> memref<40xi32, #tpu.memory_space<vmem>>
      %dma_wait3A_127 = arith.constant 0 : i32
      %dma_wait3A_128 = arith.constant 0 : i32
      %dma_wait3A_129 = tpu.memref_slice %arg6[%dma_wait3A_127, %dma_wait3A_128] : memref<10000x128xf32, #tpu.memory_space<vmem_shared>> -> memref<10000x128xf32, #tpu.memory_space<vmem_shared>>
      %dma_wait3A_130 = tpu.memref_slice %arg12[%dma_wait3A_120] : memref<2x!tpu.dma_semaphore, #tpu.memory_space<semaphore_mem>> -> memref<1x!tpu.dma_semaphore, #tpu.memory_space<semaphore_mem>>
      %dma_wait3A_131 = tpu.memref_squeeze %dma_wait3A_130 : memref<1x!tpu.dma_semaphore, #tpu.memory_space<semaphore_mem>> -> memref<!tpu.dma_semaphore, #tpu.memory_space<semaphore_mem>>
      tpu.wait_indirect_dma semaphore(%dma_wait3A_131 : memref<!tpu.dma_semaphore, #tpu.memory_space<semaphore_mem>>) src(%dma_wait3A_129 : memref<10000x128xf32, #tpu.memory_space<vmem_shared>>) dst(%dma_wait3A_124 : memref<40x128xf32, #tpu.memory_space<vmem>>)
      %gt3A = arith.constant 0 : i32
      %gt3A_132 = arith.cmpi sgt, %scan3A_98, %gt3A : i32
      %convert_element_type3A_133 = arith.extui %gt3A_132 : i1 to i32
      %cond3A_134 = arith.constant 0 : i32
      %cond3A_135 = arith.cmpi ne, %convert_element_type3A_133, %cond3A_134 : i32
      scf.if %cond3A_135 {
        %dma_wait3A_224 = arith.constant 0 : i32
        %dma_wait3A_225 = arith.constant 0 : i32
        %dma_wait3A_226 = arith.constant 0 : i32
        %dma_wait3A_227 = arith.constant 0 : i32
        %dma_wait3A_228 = tpu.memref_slice %arg11[%dma_wait3A_224, %dma_wait3A_226, %dma_wait3A_227] : memref<2x40x128xf32, #tpu.memory_space<vmem>> -> memref<1x40x128xf32, #tpu.memory_space<vmem>>
        %dma_wait3A_229 = tpu.memref_squeeze %dma_wait3A_228 : memref<1x40x128xf32, #tpu.memory_space<vmem>> -> memref<40x128xf32, #tpu.memory_space<vmem>>
        %dma_wait3A_230 = arith.constant 0 : i32
        %dma_wait3A_231 = tpu.memref_slice %arg5[%add3A_105, %dma_wait3A_230] : memref<320000x128xf32, #tpu.memory_space<hbm>> -> memref<40x128xf32, #tpu.memory_space<hbm>>
        %dma_wait3A_232 = tpu.memref_slice %arg13[%dma_wait3A_225] : memref<2x!tpu.dma_semaphore, #tpu.memory_space<semaphore_mem>> -> memref<1x!tpu.dma_semaphore, #tpu.memory_space<semaphore_mem>>
        %dma_wait3A_233 = tpu.memref_squeeze %dma_wait3A_232 : memref<1x!tpu.dma_semaphore, #tpu.memory_space<semaphore_mem>> -> memref<!tpu.dma_semaphore, #tpu.memory_space<semaphore_mem>>
        %dma_wait3A_234 = arith.constant 0 : i32
        %dma_wait3A_235 = tpu.memref_slice %arg5[%add3A_105, %dma_wait3A_234] : memref<320000x128xf32, #tpu.memory_space<hbm>> -> memref<40x128xf32, #tpu.memory_space<hbm>>
        %dma_wait3A_236 = arith.constant 0 : i32
        %dma_wait3A_237 = arith.constant 0 : i32
        %dma_wait3A_238 = tpu.memref_slice %arg11[%dma_wait3A_224, %dma_wait3A_236, %dma_wait3A_237] : memref<2x40x128xf32, #tpu.memory_space<vmem>> -> memref<1x40x128xf32, #tpu.memory_space<vmem>>
        %dma_wait3A_239 = tpu.memref_squeeze %dma_wait3A_238 : memref<1x40x128xf32, #tpu.memory_space<vmem>> -> memref<40x128xf32, #tpu.memory_space<vmem>>
        tpu.wait_dma2 semaphore(%dma_wait3A_233 : memref<!tpu.dma_semaphore, #tpu.memory_space<semaphore_mem>>) src(%dma_wait3A_239 : memref<40x128xf32, #tpu.memory_space<vmem>>) dst(%dma_wait3A_235 : memref<40x128xf32, #tpu.memory_space<hbm>>)
      } else {
      }
      %parallel_loop3A = arith.constant 0 : i32
      %parallel_loop3A_136 = arith.constant 40 : i32
      %parallel_loop3A_137 = arith.constant 1 : i32
      scf.for %parallel_loop3A_224 = %parallel_loop3A to %parallel_loop3A_136 step %parallel_loop3A_137  : i32 {
        %parallel_loop3A_225 = arith.constant 0 : i32
        %parallel_loop3A_226 = arith.index_cast %parallel_loop3A_225 : i32 to index
        %parallel_loop3A_227 = arith.index_cast %parallel_loop3A_224 : i32 to index
        %parallel_loop3A_228 = arith.constant 0 : index
        %parallel_loop3A_229 = tpu.vector_load %arg9[%parallel_loop3A_226, %parallel_loop3A_227, %parallel_loop3A_228] {strides = array<i32>} : memref<2x40x128xf32, #tpu.memory_space<vmem>>, vector<1x1x16xf32>,
        %parallel_loop3A_230 = vector.shape_cast %parallel_loop3A_229 : vector<1x1x16xf32> to vector<16xf32>
        %parallel_loop3A_231 = arith.constant 0 : i32
        %parallel_loop3A_232 = arith.index_cast %parallel_loop3A_231 : i32 to index
        %parallel_loop3A_233 = arith.index_cast %parallel_loop3A_224 : i32 to index
        %parallel_loop3A_234 = arith.constant 0 : index
        %parallel_loop3A_235 = tpu.vector_load %arg10[%parallel_loop3A_232, %parallel_loop3A_233, %parallel_loop3A_234] {strides = array<i32>} : memref<2x40x128xf32, #tpu.memory_space<vmem>>, vector<1x1x16xf32>,
        %parallel_loop3A_236 = vector.shape_cast %parallel_loop3A_235 : vector<1x1x16xf32> to vector<16xf32>
        %parallel_loop3A_237 = arith.subf %parallel_loop3A_230, %parallel_loop3A_236 : vector<16xf32>
        %parallel_loop3A_238 = arith.constant 0 : i32
        %parallel_loop3A_239 = arith.index_cast %parallel_loop3A_238 : i32 to index
        %parallel_loop3A_240 = arith.index_cast %parallel_loop3A_224 : i32 to index
        %parallel_loop3A_241 = arith.constant 0 : index
        %parallel_loop3A_242 = tpu.vector_load %arg11[%parallel_loop3A_239, %parallel_loop3A_240, %parallel_loop3A_241] {strides = array<i32>} : memref<2x40x128xf32, #tpu.memory_space<vmem>>, vector<1x1x16xf32>,
        %parallel_loop3A_243 = vector.shape_cast %parallel_loop3A_242 : vector<1x1x16xf32> to vector<16xf32>
        %parallel_loop3A_244 = vector.shape_cast %parallel_loop3A_237 : vector<16xf32> to vector<1x1x16xf32>
        tpu.vector_store %arg11[%parallel_loop3A_239, %parallel_loop3A_240, %parallel_loop3A_241], %parallel_loop3A_244 {strides = array<i32>} : memref<2x40x128xf32, #tpu.memory_space<vmem>>, vector<1x1x16xf32>,
        %parallel_loop3A_245 = arith.constant 0 : i32
        %parallel_loop3A_246 = arith.index_cast %parallel_loop3A_245 : i32 to index
        %parallel_loop3A_247 = arith.index_cast %parallel_loop3A_224 : i32 to index
        %parallel_loop3A_248 = arith.constant 16 : index
        %parallel_loop3A_249 = tpu.vector_load %arg9[%parallel_loop3A_246, %parallel_loop3A_247, %parallel_loop3A_248] {strides = array<i32>} : memref<2x40x128xf32, #tpu.memory_space<vmem>>, vector<1x1x16xf32>,
        %parallel_loop3A_250 = vector.shape_cast %parallel_loop3A_249 : vector<1x1x16xf32> to vector<16xf32>
        %parallel_loop3A_251 = arith.constant 0 : i32
        %parallel_loop3A_252 = arith.index_cast %parallel_loop3A_251 : i32 to index
        %parallel_loop3A_253 = arith.index_cast %parallel_loop3A_224 : i32 to index
        %parallel_loop3A_254 = arith.constant 16 : index
        %parallel_loop3A_255 = tpu.vector_load %arg10[%parallel_loop3A_252, %parallel_loop3A_253, %parallel_loop3A_254] {strides = array<i32>} : memref<2x40x128xf32, #tpu.memory_space<vmem>>, vector<1x1x16xf32>,
        %parallel_loop3A_256 = vector.shape_cast %parallel_loop3A_255 : vector<1x1x16xf32> to vector<16xf32>
        %parallel_loop3A_257 = arith.subf %parallel_loop3A_250, %parallel_loop3A_256 : vector<16xf32>
        %parallel_loop3A_258 = arith.constant 0 : i32
        %parallel_loop3A_259 = arith.index_cast %parallel_loop3A_258 : i32 to index
        %parallel_loop3A_260 = arith.index_cast %parallel_loop3A_224 : i32 to index
        %parallel_loop3A_261 = arith.constant 16 : index
        %parallel_loop3A_262 = tpu.vector_load %arg11[%parallel_loop3A_259, %parallel_loop3A_260, %parallel_loop3A_261] {strides = array<i32>} : memref<2x40x128xf32, #tpu.memory_space<vmem>>, vector<1x1x16xf32>,
        %parallel_loop3A_263 = vector.shape_cast %parallel_loop3A_262 : vector<1x1x16xf32> to vector<16xf32>
        %parallel_loop3A_264 = vector.shape_cast %parallel_loop3A_257 : vector<16xf32> to vector<1x1x16xf32>
        tpu.vector_store %arg11[%parallel_loop3A_259, %parallel_loop3A_260, %parallel_loop3A_261], %parallel_loop3A_264 {strides = array<i32>} : memref<2x40x128xf32, #tpu.memory_space<vmem>>, vector<1x1x16xf32>,
        %parallel_loop3A_265 = arith.constant 0 : i32
        %parallel_loop3A_266 = arith.index_cast %parallel_loop3A_265 : i32 to index
        %parallel_loop3A_267 = arith.index_cast %parallel_loop3A_224 : i32 to index
        %parallel_loop3A_268 = arith.constant 32 : index
        %parallel_loop3A_269 = tpu.vector_load %arg9[%parallel_loop3A_266, %parallel_loop3A_267, %parallel_loop3A_268] {strides = array<i32>} : memref<2x40x128xf32, #tpu.memory_space<vmem>>, vector<1x1x16xf32>,
        %parallel_loop3A_270 = vector.shape_cast %parallel_loop3A_269 : vector<1x1x16xf32> to vector<16xf32>
        %parallel_loop3A_271 = arith.constant 0 : i32
        %parallel_loop3A_272 = arith.index_cast %parallel_loop3A_271 : i32 to index
        %parallel_loop3A_273 = arith.index_cast %parallel_loop3A_224 : i32 to index
        %parallel_loop3A_274 = arith.constant 32 : index
        %parallel_loop3A_275 = tpu.vector_load %arg10[%parallel_loop3A_272, %parallel_loop3A_273, %parallel_loop3A_274] {strides = array<i32>} : memref<2x40x128xf32, #tpu.memory_space<vmem>>, vector<1x1x16xf32>,
        %parallel_loop3A_276 = vector.shape_cast %parallel_loop3A_275 : vector<1x1x16xf32> to vector<16xf32>
        %parallel_loop3A_277 = arith.subf %parallel_loop3A_270, %parallel_loop3A_276 : vector<16xf32>
        %parallel_loop3A_278 = arith.constant 0 : i32
        %parallel_loop3A_279 = arith.index_cast %parallel_loop3A_278 : i32 to index
        %parallel_loop3A_280 = arith.index_cast %parallel_loop3A_224 : i32 to index
        %parallel_loop3A_281 = arith.constant 32 : index
        %parallel_loop3A_282 = tpu.vector_load %arg11[%parallel_loop3A_279, %parallel_loop3A_280, %parallel_loop3A_281] {strides = array<i32>} : memref<2x40x128xf32, #tpu.memory_space<vmem>>, vector<1x1x16xf32>,
        %parallel_loop3A_283 = vector.shape_cast %parallel_loop3A_282 : vector<1x1x16xf32> to vector<16xf32>
        %parallel_loop3A_284 = vector.shape_cast %parallel_loop3A_277 : vector<16xf32> to vector<1x1x16xf32>
        tpu.vector_store %arg11[%parallel_loop3A_279, %parallel_loop3A_280, %parallel_loop3A_281], %parallel_loop3A_284 {strides = array<i32>} : memref<2x40x128xf32, #tpu.memory_space<vmem>>, vector<1x1x16xf32>,
        %parallel_loop3A_285 = arith.constant 0 : i32
        %parallel_loop3A_286 = arith.index_cast %parallel_loop3A_285 : i32 to index
        %parallel_loop3A_287 = arith.index_cast %parallel_loop3A_224 : i32 to index
        %parallel_loop3A_288 = arith.constant 48 : index
        %parallel_loop3A_289 = tpu.vector_load %arg9[%parallel_loop3A_286, %parallel_loop3A_287, %parallel_loop3A_288] {strides = array<i32>} : memref<2x40x128xf32, #tpu.memory_space<vmem>>, vector<1x1x16xf32>,
        %parallel_loop3A_290 = vector.shape_cast %parallel_loop3A_289 : vector<1x1x16xf32> to vector<16xf32>
        %parallel_loop3A_291 = arith.constant 0 : i32
        %parallel_loop3A_292 = arith.index_cast %parallel_loop3A_291 : i32 to index
        %parallel_loop3A_293 = arith.index_cast %parallel_loop3A_224 : i32 to index
        %parallel_loop3A_294 = arith.constant 48 : index
        %parallel_loop3A_295 = tpu.vector_load %arg10[%parallel_loop3A_292, %parallel_loop3A_293, %parallel_loop3A_294] {strides = array<i32>} : memref<2x40x128xf32, #tpu.memory_space<vmem>>, vector<1x1x16xf32>,
        %parallel_loop3A_296 = vector.shape_cast %parallel_loop3A_295 : vector<1x1x16xf32> to vector<16xf32>
        %parallel_loop3A_297 = arith.subf %parallel_loop3A_290, %parallel_loop3A_296 : vector<16xf32>
        %parallel_loop3A_298 = arith.constant 0 : i32
        %parallel_loop3A_299 = arith.index_cast %parallel_loop3A_298 : i32 to index
        %parallel_loop3A_300 = arith.index_cast %parallel_loop3A_224 : i32 to index
        %parallel_loop3A_301 = arith.constant 48 : index
        %parallel_loop3A_302 = tpu.vector_load %arg11[%parallel_loop3A_299, %parallel_loop3A_300, %parallel_loop3A_301] {strides = array<i32>} : memref<2x40x128xf32, #tpu.memory_space<vmem>>, vector<1x1x16xf32>,
        %parallel_loop3A_303 = vector.shape_cast %parallel_loop3A_302 : vector<1x1x16xf32> to vector<16xf32>
        %parallel_loop3A_304 = vector.shape_cast %parallel_loop3A_297 : vector<16xf32> to vector<1x1x16xf32>
        tpu.vector_store %arg11[%parallel_loop3A_299, %parallel_loop3A_300, %parallel_loop3A_301], %parallel_loop3A_304 {strides = array<i32>} : memref<2x40x128xf32, #tpu.memory_space<vmem>>, vector<1x1x16xf32>,
        %parallel_loop3A_305 = arith.constant 0 : i32
        %parallel_loop3A_306 = arith.index_cast %parallel_loop3A_305 : i32 to index
        %parallel_loop3A_307 = arith.index_cast %parallel_loop3A_224 : i32 to index
        %parallel_loop3A_308 = arith.constant 64 : index
        %parallel_loop3A_309 = tpu.vector_load %arg9[%parallel_loop3A_306, %parallel_loop3A_307, %parallel_loop3A_308] {strides = array<i32>} : memref<2x40x128xf32, #tpu.memory_space<vmem>>, vector<1x1x16xf32>,
        %parallel_loop3A_310 = vector.shape_cast %parallel_loop3A_309 : vector<1x1x16xf32> to vector<16xf32>
        %parallel_loop3A_311 = arith.constant 0 : i32
        %parallel_loop3A_312 = arith.index_cast %parallel_loop3A_311 : i32 to index
        %parallel_loop3A_313 = arith.index_cast %parallel_loop3A_224 : i32 to index
        %parallel_loop3A_314 = arith.constant 64 : index
        %parallel_loop3A_315 = tpu.vector_load %arg10[%parallel_loop3A_312, %parallel_loop3A_313, %parallel_loop3A_314] {strides = array<i32>} : memref<2x40x128xf32, #tpu.memory_space<vmem>>, vector<1x1x16xf32>,
        %parallel_loop3A_316 = vector.shape_cast %parallel_loop3A_315 : vector<1x1x16xf32> to vector<16xf32>
        %parallel_loop3A_317 = arith.subf %parallel_loop3A_310, %parallel_loop3A_316 : vector<16xf32>
        %parallel_loop3A_318 = arith.constant 0 : i32
        %parallel_loop3A_319 = arith.index_cast %parallel_loop3A_318 : i32 to index
        %parallel_loop3A_320 = arith.index_cast %parallel_loop3A_224 : i32 to index
        %parallel_loop3A_321 = arith.constant 64 : index
        %parallel_loop3A_322 = tpu.vector_load %arg11[%parallel_loop3A_319, %parallel_loop3A_320, %parallel_loop3A_321] {strides = array<i32>} : memref<2x40x128xf32, #tpu.memory_space<vmem>>, vector<1x1x16xf32>,
        %parallel_loop3A_323 = vector.shape_cast %parallel_loop3A_322 : vector<1x1x16xf32> to vector<16xf32>
        %parallel_loop3A_324 = vector.shape_cast %parallel_loop3A_317 : vector<16xf32> to vector<1x1x16xf32>
        tpu.vector_store %arg11[%parallel_loop3A_319, %parallel_loop3A_320, %parallel_loop3A_321], %parallel_loop3A_324 {strides = array<i32>} : memref<2x40x128xf32, #tpu.memory_space<vmem>>, vector<1x1x16xf32>,
        %parallel_loop3A_325 = arith.constant 0 : i32
        %parallel_loop3A_326 = arith.index_cast %parallel_loop3A_325 : i32 to index
        %parallel_loop3A_327 = arith.index_cast %parallel_loop3A_224 : i32 to index
        %parallel_loop3A_328 = arith.constant 80 : index
        %parallel_loop3A_329 = tpu.vector_load %arg9[%parallel_loop3A_326, %parallel_loop3A_327, %parallel_loop3A_328] {strides = array<i32>} : memref<2x40x128xf32, #tpu.memory_space<vmem>>, vector<1x1x16xf32>,
        %parallel_loop3A_330 = vector.shape_cast %parallel_loop3A_329 : vector<1x1x16xf32> to vector<16xf32>
        %parallel_loop3A_331 = arith.constant 0 : i32
        %parallel_loop3A_332 = arith.index_cast %parallel_loop3A_331 : i32 to index
        %parallel_loop3A_333 = arith.index_cast %parallel_loop3A_224 : i32 to index
        %parallel_loop3A_334 = arith.constant 80 : index
        %parallel_loop3A_335 = tpu.vector_load %arg10[%parallel_loop3A_332, %parallel_loop3A_333, %parallel_loop3A_334] {strides = array<i32>} : memref<2x40x128xf32, #tpu.memory_space<vmem>>, vector<1x1x16xf32>,
        %parallel_loop3A_336 = vector.shape_cast %parallel_loop3A_335 : vector<1x1x16xf32> to vector<16xf32>
        %parallel_loop3A_337 = arith.subf %parallel_loop3A_330, %parallel_loop3A_336 : vector<16xf32>
        %parallel_loop3A_338 = arith.constant 0 : i32
        %parallel_loop3A_339 = arith.index_cast %parallel_loop3A_338 : i32 to index
        %parallel_loop3A_340 = arith.index_cast %parallel_loop3A_224 : i32 to index
        %parallel_loop3A_341 = arith.constant 80 : index
        %parallel_loop3A_342 = tpu.vector_load %arg11[%parallel_loop3A_339, %parallel_loop3A_340, %parallel_loop3A_341] {strides = array<i32>} : memref<2x40x128xf32, #tpu.memory_space<vmem>>, vector<1x1x16xf32>,
        %parallel_loop3A_343 = vector.shape_cast %parallel_loop3A_342 : vector<1x1x16xf32> to vector<16xf32>
        %parallel_loop3A_344 = vector.shape_cast %parallel_loop3A_337 : vector<16xf32> to vector<1x1x16xf32>
        tpu.vector_store %arg11[%parallel_loop3A_339, %parallel_loop3A_340, %parallel_loop3A_341], %parallel_loop3A_344 {strides = array<i32>} : memref<2x40x128xf32, #tpu.memory_space<vmem>>, vector<1x1x16xf32>,
        %parallel_loop3A_345 = arith.constant 0 : i32
        %parallel_loop3A_346 = arith.index_cast %parallel_loop3A_345 : i32 to index
        %parallel_loop3A_347 = arith.index_cast %parallel_loop3A_224 : i32 to index
        %parallel_loop3A_348 = arith.constant 96 : index
        %parallel_loop3A_349 = tpu.vector_load %arg9[%parallel_loop3A_346, %parallel_loop3A_347, %parallel_loop3A_348] {strides = array<i32>} : memref<2x40x128xf32, #tpu.memory_space<vmem>>, vector<1x1x16xf32>,
        %parallel_loop3A_350 = vector.shape_cast %parallel_loop3A_349 : vector<1x1x16xf32> to vector<16xf32>
        %parallel_loop3A_351 = arith.constant 0 : i32
        %parallel_loop3A_352 = arith.index_cast %parallel_loop3A_351 : i32 to index
        %parallel_loop3A_353 = arith.index_cast %parallel_loop3A_224 : i32 to index
        %parallel_loop3A_354 = arith.constant 96 : index
        %parallel_loop3A_355 = tpu.vector_load %arg10[%parallel_loop3A_352, %parallel_loop3A_353, %parallel_loop3A_354] {strides = array<i32>} : memref<2x40x128xf32, #tpu.memory_space<vmem>>, vector<1x1x16xf32>,
        %parallel_loop3A_356 = vector.shape_cast %parallel_loop3A_355 : vector<1x1x16xf32> to vector<16xf32>
        %parallel_loop3A_357 = arith.subf %parallel_loop3A_350, %parallel_loop3A_356 : vector<16xf32>
        %parallel_loop3A_358 = arith.constant 0 : i32
        %parallel_loop3A_359 = arith.index_cast %parallel_loop3A_358 : i32 to index
        %parallel_loop3A_360 = arith.index_cast %parallel_loop3A_224 : i32 to index
        %parallel_loop3A_361 = arith.constant 96 : index
        %parallel_loop3A_362 = tpu.vector_load %arg11[%parallel_loop3A_359, %parallel_loop3A_360, %parallel_loop3A_361] {strides = array<i32>} : memref<2x40x128xf32, #tpu.memory_space<vmem>>, vector<1x1x16xf32>,
        %parallel_loop3A_363 = vector.shape_cast %parallel_loop3A_362 : vector<1x1x16xf32> to vector<16xf32>
        %parallel_loop3A_364 = vector.shape_cast %parallel_loop3A_357 : vector<16xf32> to vector<1x1x16xf32>
        tpu.vector_store %arg11[%parallel_loop3A_359, %parallel_loop3A_360, %parallel_loop3A_361], %parallel_loop3A_364 {strides = array<i32>} : memref<2x40x128xf32, #tpu.memory_space<vmem>>, vector<1x1x16xf32>,
        %parallel_loop3A_365 = arith.constant 0 : i32
        %parallel_loop3A_366 = arith.index_cast %parallel_loop3A_365 : i32 to index
        %parallel_loop3A_367 = arith.index_cast %parallel_loop3A_224 : i32 to index
        %parallel_loop3A_368 = arith.constant 112 : index
        %parallel_loop3A_369 = tpu.vector_load %arg9[%parallel_loop3A_366, %parallel_loop3A_367, %parallel_loop3A_368] {strides = array<i32>} : memref<2x40x128xf32, #tpu.memory_space<vmem>>, vector<1x1x16xf32>,
        %parallel_loop3A_370 = vector.shape_cast %parallel_loop3A_369 : vector<1x1x16xf32> to vector<16xf32>
        %parallel_loop3A_371 = arith.constant 0 : i32
        %parallel_loop3A_372 = arith.index_cast %parallel_loop3A_371 : i32 to index
        %parallel_loop3A_373 = arith.index_cast %parallel_loop3A_224 : i32 to index
        %parallel_loop3A_374 = arith.constant 112 : index
        %parallel_loop3A_375 = tpu.vector_load %arg10[%parallel_loop3A_372, %parallel_loop3A_373, %parallel_loop3A_374] {strides = array<i32>} : memref<2x40x128xf32, #tpu.memory_space<vmem>>, vector<1x1x16xf32>,
        %parallel_loop3A_376 = vector.shape_cast %parallel_loop3A_375 : vector<1x1x16xf32> to vector<16xf32>
        %parallel_loop3A_377 = arith.subf %parallel_loop3A_370, %parallel_loop3A_376 : vector<16xf32>
        %parallel_loop3A_378 = arith.constant 0 : i32
        %parallel_loop3A_379 = arith.index_cast %parallel_loop3A_378 : i32 to index
        %parallel_loop3A_380 = arith.index_cast %parallel_loop3A_224 : i32 to index
        %parallel_loop3A_381 = arith.constant 112 : index
        %parallel_loop3A_382 = tpu.vector_load %arg11[%parallel_loop3A_379, %parallel_loop3A_380, %parallel_loop3A_381] {strides = array<i32>} : memref<2x40x128xf32, #tpu.memory_space<vmem>>, vector<1x1x16xf32>,
        %parallel_loop3A_383 = vector.shape_cast %parallel_loop3A_382 : vector<1x1x16xf32> to vector<16xf32>
        %parallel_loop3A_384 = vector.shape_cast %parallel_loop3A_377 : vector<16xf32> to vector<1x1x16xf32>
        tpu.vector_store %arg11[%parallel_loop3A_379, %parallel_loop3A_380, %parallel_loop3A_381], %parallel_loop3A_384 {strides = array<i32>} : memref<2x40x128xf32, #tpu.memory_space<vmem>>, vector<1x1x16xf32>,
      } {sc.loop_unroll_factor = 4 : i64, sc.parallel_access}
      %dma_start3A_138 = arith.constant 0 : i32
      %dma_start3A_139 = arith.constant 0 : i32
      %dma_start3A_140 = arith.constant 0 : i32
      %dma_start3A_141 = arith.constant 0 : i32
      %dma_start3A_142 = tpu.memref_slice %arg11[%dma_start3A_138, %dma_start3A_140, %dma_start3A_141] : memref<2x40x128xf32, #tpu.memory_space<vmem>> -> memref<1x40x128xf32, #tpu.memory_space<vmem>>
      %dma_start3A_143 = tpu.memref_squeeze %dma_start3A_142 : memref<1x40x128xf32, #tpu.memory_space<vmem>> -> memref<40x128xf32, #tpu.memory_space<vmem>>
      %dma_start3A_144 = arith.constant 0 : i32
      %dma_start3A_145 = tpu.memref_slice %arg5[%add3A_105, %dma_start3A_144] : memref<320000x128xf32, #tpu.memory_space<hbm>> -> memref<40x128xf32, #tpu.memory_space<hbm>>
      %dma_start3A_146 = tpu.memref_slice %arg13[%dma_start3A_139] : memref<2x!tpu.dma_semaphore, #tpu.memory_space<semaphore_mem>> -> memref<1x!tpu.dma_semaphore, #tpu.memory_space<semaphore_mem>>
      %dma_start3A_147 = tpu.memref_squeeze %dma_start3A_146 : memref<1x!tpu.dma_semaphore, #tpu.memory_space<semaphore_mem>> -> memref<!tpu.dma_semaphore, #tpu.memory_space<semaphore_mem>>
      %dma_start3A_148 = arith.constant 0 : i32
      %dma_start3A_149 = tpu.memref_slice %arg5[%add3A_105, %dma_start3A_148] : memref<320000x128xf32, #tpu.memory_space<hbm>> -> memref<40x128xf32, #tpu.memory_space<hbm>>
      %dma_start3A_150 = arith.constant 0 : i32
      %dma_start3A_151 = arith.constant 0 : i32
      %dma_start3A_152 = tpu.memref_slice %arg11[%dma_start3A_138, %dma_start3A_150, %dma_start3A_151] : memref<2x40x128xf32, #tpu.memory_space<vmem>> -> memref<1x40x128xf32, #tpu.memory_space<vmem>>
      %dma_start3A_153 = tpu.memref_squeeze %dma_start3A_152 : memref<1x40x128xf32, #tpu.memory_space<vmem>> -> memref<40x128xf32, #tpu.memory_space<vmem>>
      tpu.enqueue_dma source(%dma_start3A_153 : memref<40x128xf32, #tpu.memory_space<vmem>>) target(%dma_start3A_149 : memref<40x128xf32, #tpu.memory_space<hbm>>) target_semaphore(%dma_start3A_147 : memref<!tpu.dma_semaphore, #tpu.memory_space<semaphore_mem>>)
      %add3A_154 = arith.constant 2 : i32
      %add3A_155 = arith.addi %add3A_102, %add3A_154 : i32
      %lt3A = arith.constant 250 : i32
      %lt3A_156 = arith.cmpi slt, %add3A_155, %lt3A : i32
      %convert_element_type3A_157 = arith.extui %lt3A_156 : i1 to i32
      %cond3A_158 = arith.constant 0 : i32
      %cond3A_159 = arith.cmpi ne, %convert_element_type3A_157, %cond3A_158 : i32
      scf.if %cond3A_159 {
        %add3A_224 = arith.constant 2 : i32
        %add3A_225 = arith.addi %add3A_102, %add3A_224 : i32
        %mul3A_226 = arith.constant 40 : i32
        %mul3A_227 = arith.muli %add3A_225, %mul3A_226 : i32
        %dma_start3A_228 = arith.constant 0 : i32
        %dma_start3A_229 = arith.constant 0 : i32
        %dma_start3A_230 = arith.constant 0 : i32
        %dma_start3A_231 = arith.constant 0 : i32
        %dma_start3A_232 = tpu.memref_slice %arg9[%dma_start3A_228, %dma_start3A_230, %dma_start3A_231] : memref<2x40x128xf32, #tpu.memory_space<vmem>> -> memref<1x40x128xf32, #tpu.memory_space<vmem>>
        %dma_start3A_233 = tpu.memref_squeeze %dma_start3A_232 : memref<1x40x128xf32, #tpu.memory_space<vmem>> -> memref<40x128xf32, #tpu.memory_space<vmem>>
        %dma_start3A_234 = tpu.memref_slice %arg7[%mul3A_227] : memref<10000xi32, #tpu.memory_space<vmem>> -> memref<40xi32, #tpu.memory_space<vmem>>
        %dma_start3A_235 = arith.constant 0 : i32
        %dma_start3A_236 = arith.constant 0 : i32
        %dma_start3A_237 = tpu.memref_slice %arg6[%dma_start3A_235, %dma_start3A_236] : memref<10000x128xf32, #tpu.memory_space<vmem_shared>> -> memref<10000x128xf32, #tpu.memory_space<vmem_shared>>
        %dma_start3A_238 = tpu.memref_slice %arg12[%dma_start3A_229] : memref<2x!tpu.dma_semaphore, #tpu.memory_space<semaphore_mem>> -> memref<1x!tpu.dma_semaphore, #tpu.memory_space<semaphore_mem>>
        %dma_start3A_239 = tpu.memref_squeeze %dma_start3A_238 : memref<1x!tpu.dma_semaphore, #tpu.memory_space<semaphore_mem>> -> memref<!tpu.dma_semaphore, #tpu.memory_space<semaphore_mem>>
        tpu.enqueue_indirect_dma source(%dma_start3A_237 : memref<10000x128xf32, #tpu.memory_space<vmem_shared>>) target(%dma_start3A_233 : memref<40x128xf32, #tpu.memory_space<vmem>>) offsets(%dma_start3A_234 : memref<40xi32, #tpu.memory_space<vmem>>) semaphore(%dma_start3A_239 : memref<!tpu.dma_semaphore, #tpu.memory_space<semaphore_mem>>)
        %mul3A_240 = arith.constant 40 : i32
        %mul3A_241 = arith.muli %add3A_225, %mul3A_240 : i32
        %dma_start3A_242 = arith.constant 0 : i32
        %dma_start3A_243 = arith.constant 0 : i32
        %dma_start3A_244 = arith.constant 0 : i32
        %dma_start3A_245 = arith.constant 0 : i32
        %dma_start3A_246 = tpu.memref_slice %arg10[%dma_start3A_242, %dma_start3A_244, %dma_start3A_245] : memref<2x40x128xf32, #tpu.memory_space<vmem>> -> memref<1x40x128xf32, #tpu.memory_space<vmem>>
        %dma_start3A_247 = tpu.memref_squeeze %dma_start3A_246 : memref<1x40x128xf32, #tpu.memory_space<vmem>> -> memref<40x128xf32, #tpu.memory_space<vmem>>
        %dma_start3A_248 = tpu.memref_slice %arg8[%mul3A_241] : memref<10000xi32, #tpu.memory_space<vmem>> -> memref<40xi32, #tpu.memory_space<vmem>>
        %dma_start3A_249 = arith.constant 0 : i32
        %dma_start3A_250 = arith.constant 0 : i32
        %dma_start3A_251 = tpu.memref_slice %arg6[%dma_start3A_249, %dma_start3A_250] : memref<10000x128xf32, #tpu.memory_space<vmem_shared>> -> memref<10000x128xf32, #tpu.memory_space<vmem_shared>>
        %dma_start3A_252 = tpu.memref_slice %arg12[%dma_start3A_243] : memref<2x!tpu.dma_semaphore, #tpu.memory_space<semaphore_mem>> -> memref<1x!tpu.dma_semaphore, #tpu.memory_space<semaphore_mem>>
        %dma_start3A_253 = tpu.memref_squeeze %dma_start3A_252 : memref<1x!tpu.dma_semaphore, #tpu.memory_space<semaphore_mem>> -> memref<!tpu.dma_semaphore, #tpu.memory_space<semaphore_mem>>
        tpu.enqueue_indirect_dma source(%dma_start3A_251 : memref<10000x128xf32, #tpu.memory_space<vmem_shared>>) target(%dma_start3A_247 : memref<40x128xf32, #tpu.memory_space<vmem>>) offsets(%dma_start3A_248 : memref<40xi32, #tpu.memory_space<vmem>>) semaphore(%dma_start3A_253 : memref<!tpu.dma_semaphore, #tpu.memory_space<semaphore_mem>>)
      } else {
      }
      %mul3A_160 = arith.constant 2 : i32
      %mul3A_161 = arith.muli %scan3A_98, %mul3A_160 : i32
      %add3A_162 = arith.constant 1 : i32
      %add3A_163 = arith.addi %mul3A_161, %add3A_162 : i32
      %mul3A_164 = arith.constant 40 : i32
      %mul3A_165 = arith.muli %add3A_163, %mul3A_164 : i32
      %add3A_166 = arith.addi %mul3A_2, %mul3A_165 : i32
      %dma_wait3A_167 = arith.constant 1 : i32
      %dma_wait3A_168 = arith.constant 1 : i32
      %dma_wait3A_169 = arith.constant 0 : i32
      %dma_wait3A_170 = arith.constant 0 : i32
      %dma_wait3A_171 = tpu.memref_slice %arg9[%dma_wait3A_167, %dma_wait3A_169, %dma_wait3A_170] : memref<2x40x128xf32, #tpu.memory_space<vmem>> -> memref<1x40x128xf32, #tpu.memory_space<vmem>>
      %dma_wait3A_172 = tpu.memref_squeeze %dma_wait3A_171 : memref<1x40x128xf32, #tpu.memory_space<vmem>> -> memref<40x128xf32, #tpu.memory_space<vmem>>
      %dma_wait3A_173 = arith.constant 0 : i32
      %dma_wait3A_174 = tpu.memref_slice %arg7[%dma_wait3A_173] : memref<10000xi32, #tpu.memory_space<vmem>> -> memref<40xi32, #tpu.memory_space<vmem>>
      %dma_wait3A_175 = arith.constant 0 : i32
      %dma_wait3A_176 = arith.constant 0 : i32
      %dma_wait3A_177 = tpu.memref_slice %arg6[%dma_wait3A_175, %dma_wait3A_176] : memref<10000x128xf32, #tpu.memory_space<vmem_shared>> -> memref<10000x128xf32, #tpu.memory_space<vmem_shared>>
      %dma_wait3A_178 = tpu.memref_slice %arg12[%dma_wait3A_168] : memref<2x!tpu.dma_semaphore, #tpu.memory_space<semaphore_mem>> -> memref<1x!tpu.dma_semaphore, #tpu.memory_space<semaphore_mem>>
      %dma_wait3A_179 = tpu.memref_squeeze %dma_wait3A_178 : memref<1x!tpu.dma_semaphore, #tpu.memory_space<semaphore_mem>> -> memref<!tpu.dma_semaphore, #tpu.memory_space<semaphore_mem>>
      tpu.wait_indirect_dma semaphore(%dma_wait3A_179 : memref<!tpu.dma_semaphore, #tpu.memory_space<semaphore_mem>>) src(%dma_wait3A_177 : memref<10000x128xf32, #tpu.memory_space<vmem_shared>>) dst(%dma_wait3A_172 : memref<40x128xf32, #tpu.memory_space<vmem>>)
      %dma_wait3A_180 = arith.constant 1 : i32
      %dma_wait3A_181 = arith.constant 1 : i32
      %dma_wait3A_182 = arith.constant 0 : i32
      %dma_wait3A_183 = arith.constant 0 : i32
      %dma_wait3A_184 = tpu.memref_slice %arg10[%dma_wait3A_180, %dma_wait3A_182, %dma_wait3A_183] : memref<2x40x128xf32, #tpu.memory_space<vmem>> -> memref<1x40x128xf32, #tpu.memory_space<vmem>>
      %dma_wait3A_185 = tpu.memref_squeeze %dma_wait3A_184 : memref<1x40x128xf32, #tpu.memory_space<vmem>> -> memref<40x128xf32, #tpu.memory_space<vmem>>
      %dma_wait3A_186 = arith.constant 0 : i32
      %dma_wait3A_187 = tpu.memref_slice %arg7[%dma_wait3A_186] : memref<10000xi32, #tpu.memory_space<vmem>> -> memref<40xi32, #tpu.memory_space<vmem>>
      %dma_wait3A_188 = arith.constant 0 : i32
      %dma_wait3A_189 = arith.constant 0 : i32
      %dma_wait3A_190 = tpu.memref_slice %arg6[%dma_wait3A_188, %dma_wait3A_189] : memref<10000x128xf32, #tpu.memory_space<vmem_shared>> -> memref<10000x128xf32, #tpu.memory_space<vmem_shared>>
      %dma_wait3A_191 = tpu.memref_slice %arg12[%dma_wait3A_181] : memref<2x!tpu.dma_semaphore, #tpu.memory_space<semaphore_mem>> -> memref<1x!tpu.dma_semaphore, #tpu.memory_space<semaphore_mem>>
      %dma_wait3A_192 = tpu.memref_squeeze %dma_wait3A_191 : memref<1x!tpu.dma_semaphore, #tpu.memory_space<semaphore_mem>> -> memref<!tpu.dma_semaphore, #tpu.memory_space<semaphore_mem>>
      tpu.wait_indirect_dma semaphore(%dma_wait3A_192 : memref<!tpu.dma_semaphore, #tpu.memory_space<semaphore_mem>>) src(%dma_wait3A_190 : memref<10000x128xf32, #tpu.memory_space<vmem_shared>>) dst(%dma_wait3A_185 : memref<40x128xf32, #tpu.memory_space<vmem>>)
      %gt3A_193 = arith.constant 0 : i32
      %gt3A_194 = arith.cmpi sgt, %scan3A_98, %gt3A_193 : i32
      %convert_element_type3A_195 = arith.extui %gt3A_194 : i1 to i32
      %cond3A_196 = arith.constant 0 : i32
      %cond3A_197 = arith.cmpi ne, %convert_element_type3A_195, %cond3A_196 : i32
      scf.if %cond3A_197 {
        %dma_wait3A_224 = arith.constant 1 : i32
        %dma_wait3A_225 = arith.constant 1 : i32
        %dma_wait3A_226 = arith.constant 0 : i32
        %dma_wait3A_227 = arith.constant 0 : i32
        %dma_wait3A_228 = tpu.memref_slice %arg11[%dma_wait3A_224, %dma_wait3A_226, %dma_wait3A_227] : memref<2x40x128xf32, #tpu.memory_space<vmem>> -> memref<1x40x128xf32, #tpu.memory_space<vmem>>
        %dma_wait3A_229 = tpu.memref_squeeze %dma_wait3A_228 : memref<1x40x128xf32, #tpu.memory_space<vmem>> -> memref<40x128xf32, #tpu.memory_space<vmem>>
        %dma_wait3A_230 = arith.constant 0 : i32
        %dma_wait3A_231 = tpu.memref_slice %arg5[%add3A_166, %dma_wait3A_230] : memref<320000x128xf32, #tpu.memory_space<hbm>> -> memref<40x128xf32, #tpu.memory_space<hbm>>
        %dma_wait3A_232 = tpu.memref_slice %arg13[%dma_wait3A_225] : memref<2x!tpu.dma_semaphore, #tpu.memory_space<semaphore_mem>> -> memref<1x!tpu.dma_semaphore, #tpu.memory_space<semaphore_mem>>
        %dma_wait3A_233 = tpu.memref_squeeze %dma_wait3A_232 : memref<1x!tpu.dma_semaphore, #tpu.memory_space<semaphore_mem>> -> memref<!tpu.dma_semaphore, #tpu.memory_space<semaphore_mem>>
        %dma_wait3A_234 = arith.constant 0 : i32
        %dma_wait3A_235 = tpu.memref_slice %arg5[%add3A_166, %dma_wait3A_234] : memref<320000x128xf32, #tpu.memory_space<hbm>> -> memref<40x128xf32, #tpu.memory_space<hbm>>
        %dma_wait3A_236 = arith.constant 0 : i32
        %dma_wait3A_237 = arith.constant 0 : i32
        %dma_wait3A_238 = tpu.memref_slice %arg11[%dma_wait3A_224, %dma_wait3A_236, %dma_wait3A_237] : memref<2x40x128xf32, #tpu.memory_space<vmem>> -> memref<1x40x128xf32, #tpu.memory_space<vmem>>
        %dma_wait3A_239 = tpu.memref_squeeze %dma_wait3A_238 : memref<1x40x128xf32, #tpu.memory_space<vmem>> -> memref<40x128xf32, #tpu.memory_space<vmem>>
        tpu.wait_dma2 semaphore(%dma_wait3A_233 : memref<!tpu.dma_semaphore, #tpu.memory_space<semaphore_mem>>) src(%dma_wait3A_239 : memref<40x128xf32, #tpu.memory_space<vmem>>) dst(%dma_wait3A_235 : memref<40x128xf32, #tpu.memory_space<hbm>>)
      } else {
      }
      %parallel_loop3A_198 = arith.constant 0 : i32
      %parallel_loop3A_199 = arith.constant 40 : i32
      %parallel_loop3A_200 = arith.constant 1 : i32
      scf.for %parallel_loop3A_224 = %parallel_loop3A_198 to %parallel_loop3A_199 step %parallel_loop3A_200  : i32 {
        %parallel_loop3A_225 = arith.constant 1 : i32
        %parallel_loop3A_226 = arith.index_cast %parallel_loop3A_225 : i32 to index
        %parallel_loop3A_227 = arith.index_cast %parallel_loop3A_224 : i32 to index
        %parallel_loop3A_228 = arith.constant 0 : index
        %parallel_loop3A_229 = tpu.vector_load %arg9[%parallel_loop3A_226, %parallel_loop3A_227, %parallel_loop3A_228] {strides = array<i32>} : memref<2x40x128xf32, #tpu.memory_space<vmem>>, vector<1x1x16xf32>,
        %parallel_loop3A_230 = vector.shape_cast %parallel_loop3A_229 : vector<1x1x16xf32> to vector<16xf32>
        %parallel_loop3A_231 = arith.constant 1 : i32
        %parallel_loop3A_232 = arith.index_cast %parallel_loop3A_231 : i32 to index
        %parallel_loop3A_233 = arith.index_cast %parallel_loop3A_224 : i32 to index
        %parallel_loop3A_234 = arith.constant 0 : index
        %parallel_loop3A_235 = tpu.vector_load %arg10[%parallel_loop3A_232, %parallel_loop3A_233, %parallel_loop3A_234] {strides = array<i32>} : memref<2x40x128xf32, #tpu.memory_space<vmem>>, vector<1x1x16xf32>,
        %parallel_loop3A_236 = vector.shape_cast %parallel_loop3A_235 : vector<1x1x16xf32> to vector<16xf32>
        %parallel_loop3A_237 = arith.subf %parallel_loop3A_230, %parallel_loop3A_236 : vector<16xf32>
        %parallel_loop3A_238 = arith.constant 1 : i32
        %parallel_loop3A_239 = arith.index_cast %parallel_loop3A_238 : i32 to index
        %parallel_loop3A_240 = arith.index_cast %parallel_loop3A_224 : i32 to index
        %parallel_loop3A_241 = arith.constant 0 : index
        %parallel_loop3A_242 = tpu.vector_load %arg11[%parallel_loop3A_239, %parallel_loop3A_240, %parallel_loop3A_241] {strides = array<i32>} : memref<2x40x128xf32, #tpu.memory_space<vmem>>, vector<1x1x16xf32>,
        %parallel_loop3A_243 = vector.shape_cast %parallel_loop3A_242 : vector<1x1x16xf32> to vector<16xf32>
        %parallel_loop3A_244 = vector.shape_cast %parallel_loop3A_237 : vector<16xf32> to vector<1x1x16xf32>
        tpu.vector_store %arg11[%parallel_loop3A_239, %parallel_loop3A_240, %parallel_loop3A_241], %parallel_loop3A_244 {strides = array<i32>} : memref<2x40x128xf32, #tpu.memory_space<vmem>>, vector<1x1x16xf32>,
        %parallel_loop3A_245 = arith.constant 1 : i32
        %parallel_loop3A_246 = arith.index_cast %parallel_loop3A_245 : i32 to index
        %parallel_loop3A_247 = arith.index_cast %parallel_loop3A_224 : i32 to index
        %parallel_loop3A_248 = arith.constant 16 : index
        %parallel_loop3A_249 = tpu.vector_load %arg9[%parallel_loop3A_246, %parallel_loop3A_247, %parallel_loop3A_248] {strides = array<i32>} : memref<2x40x128xf32, #tpu.memory_space<vmem>>, vector<1x1x16xf32>,
        %parallel_loop3A_250 = vector.shape_cast %parallel_loop3A_249 : vector<1x1x16xf32> to vector<16xf32>
        %parallel_loop3A_251 = arith.constant 1 : i32
        %parallel_loop3A_252 = arith.index_cast %parallel_loop3A_251 : i32 to index
        %parallel_loop3A_253 = arith.index_cast %parallel_loop3A_224 : i32 to index
        %parallel_loop3A_254 = arith.constant 16 : index
        %parallel_loop3A_255 = tpu.vector_load %arg10[%parallel_loop3A_252, %parallel_loop3A_253, %parallel_loop3A_254] {strides = array<i32>} : memref<2x40x128xf32, #tpu.memory_space<vmem>>, vector<1x1x16xf32>,
        %parallel_loop3A_256 = vector.shape_cast %parallel_loop3A_255 : vector<1x1x16xf32> to vector<16xf32>
        %parallel_loop3A_257 = arith.subf %parallel_loop3A_250, %parallel_loop3A_256 : vector<16xf32>
        %parallel_loop3A_258 = arith.constant 1 : i32
        %parallel_loop3A_259 = arith.index_cast %parallel_loop3A_258 : i32 to index
        %parallel_loop3A_260 = arith.index_cast %parallel_loop3A_224 : i32 to index
        %parallel_loop3A_261 = arith.constant 16 : index
        %parallel_loop3A_262 = tpu.vector_load %arg11[%parallel_loop3A_259, %parallel_loop3A_260, %parallel_loop3A_261] {strides = array<i32>} : memref<2x40x128xf32, #tpu.memory_space<vmem>>, vector<1x1x16xf32>,
        %parallel_loop3A_263 = vector.shape_cast %parallel_loop3A_262 : vector<1x1x16xf32> to vector<16xf32>
        %parallel_loop3A_264 = vector.shape_cast %parallel_loop3A_257 : vector<16xf32> to vector<1x1x16xf32>
        tpu.vector_store %arg11[%parallel_loop3A_259, %parallel_loop3A_260, %parallel_loop3A_261], %parallel_loop3A_264 {strides = array<i32>} : memref<2x40x128xf32, #tpu.memory_space<vmem>>, vector<1x1x16xf32>,
        %parallel_loop3A_265 = arith.constant 1 : i32
        %parallel_loop3A_266 = arith.index_cast %parallel_loop3A_265 : i32 to index
        %parallel_loop3A_267 = arith.index_cast %parallel_loop3A_224 : i32 to index
        %parallel_loop3A_268 = arith.constant 32 : index
        %parallel_loop3A_269 = tpu.vector_load %arg9[%parallel_loop3A_266, %parallel_loop3A_267, %parallel_loop3A_268] {strides = array<i32>} : memref<2x40x128xf32, #tpu.memory_space<vmem>>, vector<1x1x16xf32>,
        %parallel_loop3A_270 = vector.shape_cast %parallel_loop3A_269 : vector<1x1x16xf32> to vector<16xf32>
        %parallel_loop3A_271 = arith.constant 1 : i32
        %parallel_loop3A_272 = arith.index_cast %parallel_loop3A_271 : i32 to index
        %parallel_loop3A_273 = arith.index_cast %parallel_loop3A_224 : i32 to index
        %parallel_loop3A_274 = arith.constant 32 : index
        %parallel_loop3A_275 = tpu.vector_load %arg10[%parallel_loop3A_272, %parallel_loop3A_273, %parallel_loop3A_274] {strides = array<i32>} : memref<2x40x128xf32, #tpu.memory_space<vmem>>, vector<1x1x16xf32>,
        %parallel_loop3A_276 = vector.shape_cast %parallel_loop3A_275 : vector<1x1x16xf32> to vector<16xf32>
        %parallel_loop3A_277 = arith.subf %parallel_loop3A_270, %parallel_loop3A_276 : vector<16xf32>
        %parallel_loop3A_278 = arith.constant 1 : i32
        %parallel_loop3A_279 = arith.index_cast %parallel_loop3A_278 : i32 to index
        %parallel_loop3A_280 = arith.index_cast %parallel_loop3A_224 : i32 to index
        %parallel_loop3A_281 = arith.constant 32 : index
        %parallel_loop3A_282 = tpu.vector_load %arg11[%parallel_loop3A_279, %parallel_loop3A_280, %parallel_loop3A_281] {strides = array<i32>} : memref<2x40x128xf32, #tpu.memory_space<vmem>>, vector<1x1x16xf32>,
        %parallel_loop3A_283 = vector.shape_cast %parallel_loop3A_282 : vector<1x1x16xf32> to vector<16xf32>
        %parallel_loop3A_284 = vector.shape_cast %parallel_loop3A_277 : vector<16xf32> to vector<1x1x16xf32>
        tpu.vector_store %arg11[%parallel_loop3A_279, %parallel_loop3A_280, %parallel_loop3A_281], %parallel_loop3A_284 {strides = array<i32>} : memref<2x40x128xf32, #tpu.memory_space<vmem>>, vector<1x1x16xf32>,
        %parallel_loop3A_285 = arith.constant 1 : i32
        %parallel_loop3A_286 = arith.index_cast %parallel_loop3A_285 : i32 to index
        %parallel_loop3A_287 = arith.index_cast %parallel_loop3A_224 : i32 to index
        %parallel_loop3A_288 = arith.constant 48 : index
        %parallel_loop3A_289 = tpu.vector_load %arg9[%parallel_loop3A_286, %parallel_loop3A_287, %parallel_loop3A_288] {strides = array<i32>} : memref<2x40x128xf32, #tpu.memory_space<vmem>>, vector<1x1x16xf32>,
        %parallel_loop3A_290 = vector.shape_cast %parallel_loop3A_289 : vector<1x1x16xf32> to vector<16xf32>
        %parallel_loop3A_291 = arith.constant 1 : i32
        %parallel_loop3A_292 = arith.index_cast %parallel_loop3A_291 : i32 to index
        %parallel_loop3A_293 = arith.index_cast %parallel_loop3A_224 : i32 to index
        %parallel_loop3A_294 = arith.constant 48 : index
        %parallel_loop3A_295 = tpu.vector_load %arg10[%parallel_loop3A_292, %parallel_loop3A_293, %parallel_loop3A_294] {strides = array<i32>} : memref<2x40x128xf32, #tpu.memory_space<vmem>>, vector<1x1x16xf32>,
        %parallel_loop3A_296 = vector.shape_cast %parallel_loop3A_295 : vector<1x1x16xf32> to vector<16xf32>
        %parallel_loop3A_297 = arith.subf %parallel_loop3A_290, %parallel_loop3A_296 : vector<16xf32>
        %parallel_loop3A_298 = arith.constant 1 : i32
        %parallel_loop3A_299 = arith.index_cast %parallel_loop3A_298 : i32 to index
        %parallel_loop3A_300 = arith.index_cast %parallel_loop3A_224 : i32 to index
        %parallel_loop3A_301 = arith.constant 48 : index
        %parallel_loop3A_302 = tpu.vector_load %arg11[%parallel_loop3A_299, %parallel_loop3A_300, %parallel_loop3A_301] {strides = array<i32>} : memref<2x40x128xf32, #tpu.memory_space<vmem>>, vector<1x1x16xf32>,
        %parallel_loop3A_303 = vector.shape_cast %parallel_loop3A_302 : vector<1x1x16xf32> to vector<16xf32>
        %parallel_loop3A_304 = vector.shape_cast %parallel_loop3A_297 : vector<16xf32> to vector<1x1x16xf32>
        tpu.vector_store %arg11[%parallel_loop3A_299, %parallel_loop3A_300, %parallel_loop3A_301], %parallel_loop3A_304 {strides = array<i32>} : memref<2x40x128xf32, #tpu.memory_space<vmem>>, vector<1x1x16xf32>,
        %parallel_loop3A_305 = arith.constant 1 : i32
        %parallel_loop3A_306 = arith.index_cast %parallel_loop3A_305 : i32 to index
        %parallel_loop3A_307 = arith.index_cast %parallel_loop3A_224 : i32 to index
        %parallel_loop3A_308 = arith.constant 64 : index
        %parallel_loop3A_309 = tpu.vector_load %arg9[%parallel_loop3A_306, %parallel_loop3A_307, %parallel_loop3A_308] {strides = array<i32>} : memref<2x40x128xf32, #tpu.memory_space<vmem>>, vector<1x1x16xf32>,
        %parallel_loop3A_310 = vector.shape_cast %parallel_loop3A_309 : vector<1x1x16xf32> to vector<16xf32>
        %parallel_loop3A_311 = arith.constant 1 : i32
        %parallel_loop3A_312 = arith.index_cast %parallel_loop3A_311 : i32 to index
        %parallel_loop3A_313 = arith.index_cast %parallel_loop3A_224 : i32 to index
        %parallel_loop3A_314 = arith.constant 64 : index
        %parallel_loop3A_315 = tpu.vector_load %arg10[%parallel_loop3A_312, %parallel_loop3A_313, %parallel_loop3A_314] {strides = array<i32>} : memref<2x40x128xf32, #tpu.memory_space<vmem>>, vector<1x1x16xf32>,
        %parallel_loop3A_316 = vector.shape_cast %parallel_loop3A_315 : vector<1x1x16xf32> to vector<16xf32>
        %parallel_loop3A_317 = arith.subf %parallel_loop3A_310, %parallel_loop3A_316 : vector<16xf32>
        %parallel_loop3A_318 = arith.constant 1 : i32
        %parallel_loop3A_319 = arith.index_cast %parallel_loop3A_318 : i32 to index
        %parallel_loop3A_320 = arith.index_cast %parallel_loop3A_224 : i32 to index
        %parallel_loop3A_321 = arith.constant 64 : index
        %parallel_loop3A_322 = tpu.vector_load %arg11[%parallel_loop3A_319, %parallel_loop3A_320, %parallel_loop3A_321] {strides = array<i32>} : memref<2x40x128xf32, #tpu.memory_space<vmem>>, vector<1x1x16xf32>,
        %parallel_loop3A_323 = vector.shape_cast %parallel_loop3A_322 : vector<1x1x16xf32> to vector<16xf32>
        %parallel_loop3A_324 = vector.shape_cast %parallel_loop3A_317 : vector<16xf32> to vector<1x1x16xf32>
        tpu.vector_store %arg11[%parallel_loop3A_319, %parallel_loop3A_320, %parallel_loop3A_321], %parallel_loop3A_324 {strides = array<i32>} : memref<2x40x128xf32, #tpu.memory_space<vmem>>, vector<1x1x16xf32>,
        %parallel_loop3A_325 = arith.constant 1 : i32
        %parallel_loop3A_326 = arith.index_cast %parallel_loop3A_325 : i32 to index
        %parallel_loop3A_327 = arith.index_cast %parallel_loop3A_224 : i32 to index
        %parallel_loop3A_328 = arith.constant 80 : index
        %parallel_loop3A_329 = tpu.vector_load %arg9[%parallel_loop3A_326, %parallel_loop3A_327, %parallel_loop3A_328] {strides = array<i32>} : memref<2x40x128xf32, #tpu.memory_space<vmem>>, vector<1x1x16xf32>,
        %parallel_loop3A_330 = vector.shape_cast %parallel_loop3A_329 : vector<1x1x16xf32> to vector<16xf32>
        %parallel_loop3A_331 = arith.constant 1 : i32
        %parallel_loop3A_332 = arith.index_cast %parallel_loop3A_331 : i32 to index
        %parallel_loop3A_333 = arith.index_cast %parallel_loop3A_224 : i32 to index
        %parallel_loop3A_334 = arith.constant 80 : index
        %parallel_loop3A_335 = tpu.vector_load %arg10[%parallel_loop3A_332, %parallel_loop3A_333, %parallel_loop3A_334] {strides = array<i32>} : memref<2x40x128xf32, #tpu.memory_space<vmem>>, vector<1x1x16xf32>,
        %parallel_loop3A_336 = vector.shape_cast %parallel_loop3A_335 : vector<1x1x16xf32> to vector<16xf32>
        %parallel_loop3A_337 = arith.subf %parallel_loop3A_330, %parallel_loop3A_336 : vector<16xf32>
        %parallel_loop3A_338 = arith.constant 1 : i32
        %parallel_loop3A_339 = arith.index_cast %parallel_loop3A_338 : i32 to index
        %parallel_loop3A_340 = arith.index_cast %parallel_loop3A_224 : i32 to index
        %parallel_loop3A_341 = arith.constant 80 : index
        %parallel_loop3A_342 = tpu.vector_load %arg11[%parallel_loop3A_339, %parallel_loop3A_340, %parallel_loop3A_341] {strides = array<i32>} : memref<2x40x128xf32, #tpu.memory_space<vmem>>, vector<1x1x16xf32>,
        %parallel_loop3A_343 = vector.shape_cast %parallel_loop3A_342 : vector<1x1x16xf32> to vector<16xf32>
        %parallel_loop3A_344 = vector.shape_cast %parallel_loop3A_337 : vector<16xf32> to vector<1x1x16xf32>
        tpu.vector_store %arg11[%parallel_loop3A_339, %parallel_loop3A_340, %parallel_loop3A_341], %parallel_loop3A_344 {strides = array<i32>} : memref<2x40x128xf32, #tpu.memory_space<vmem>>, vector<1x1x16xf32>,
        %parallel_loop3A_345 = arith.constant 1 : i32
        %parallel_loop3A_346 = arith.index_cast %parallel_loop3A_345 : i32 to index
        %parallel_loop3A_347 = arith.index_cast %parallel_loop3A_224 : i32 to index
        %parallel_loop3A_348 = arith.constant 96 : index
        %parallel_loop3A_349 = tpu.vector_load %arg9[%parallel_loop3A_346, %parallel_loop3A_347, %parallel_loop3A_348] {strides = array<i32>} : memref<2x40x128xf32, #tpu.memory_space<vmem>>, vector<1x1x16xf32>,
        %parallel_loop3A_350 = vector.shape_cast %parallel_loop3A_349 : vector<1x1x16xf32> to vector<16xf32>
        %parallel_loop3A_351 = arith.constant 1 : i32
        %parallel_loop3A_352 = arith.index_cast %parallel_loop3A_351 : i32 to index
        %parallel_loop3A_353 = arith.index_cast %parallel_loop3A_224 : i32 to index
        %parallel_loop3A_354 = arith.constant 96 : index
        %parallel_loop3A_355 = tpu.vector_load %arg10[%parallel_loop3A_352, %parallel_loop3A_353, %parallel_loop3A_354] {strides = array<i32>} : memref<2x40x128xf32, #tpu.memory_space<vmem>>, vector<1x1x16xf32>,
        %parallel_loop3A_356 = vector.shape_cast %parallel_loop3A_355 : vector<1x1x16xf32> to vector<16xf32>
        %parallel_loop3A_357 = arith.subf %parallel_loop3A_350, %parallel_loop3A_356 : vector<16xf32>
        %parallel_loop3A_358 = arith.constant 1 : i32
        %parallel_loop3A_359 = arith.index_cast %parallel_loop3A_358 : i32 to index
        %parallel_loop3A_360 = arith.index_cast %parallel_loop3A_224 : i32 to index
        %parallel_loop3A_361 = arith.constant 96 : index
        %parallel_loop3A_362 = tpu.vector_load %arg11[%parallel_loop3A_359, %parallel_loop3A_360, %parallel_loop3A_361] {strides = array<i32>} : memref<2x40x128xf32, #tpu.memory_space<vmem>>, vector<1x1x16xf32>,
        %parallel_loop3A_363 = vector.shape_cast %parallel_loop3A_362 : vector<1x1x16xf32> to vector<16xf32>
        %parallel_loop3A_364 = vector.shape_cast %parallel_loop3A_357 : vector<16xf32> to vector<1x1x16xf32>
        tpu.vector_store %arg11[%parallel_loop3A_359, %parallel_loop3A_360, %parallel_loop3A_361], %parallel_loop3A_364 {strides = array<i32>} : memref<2x40x128xf32, #tpu.memory_space<vmem>>, vector<1x1x16xf32>,
        %parallel_loop3A_365 = arith.constant 1 : i32
        %parallel_loop3A_366 = arith.index_cast %parallel_loop3A_365 : i32 to index
        %parallel_loop3A_367 = arith.index_cast %parallel_loop3A_224 : i32 to index
        %parallel_loop3A_368 = arith.constant 112 : index
        %parallel_loop3A_369 = tpu.vector_load %arg9[%parallel_loop3A_366, %parallel_loop3A_367, %parallel_loop3A_368] {strides = array<i32>} : memref<2x40x128xf32, #tpu.memory_space<vmem>>, vector<1x1x16xf32>,
        %parallel_loop3A_370 = vector.shape_cast %parallel_loop3A_369 : vector<1x1x16xf32> to vector<16xf32>
        %parallel_loop3A_371 = arith.constant 1 : i32
        %parallel_loop3A_372 = arith.index_cast %parallel_loop3A_371 : i32 to index
        %parallel_loop3A_373 = arith.index_cast %parallel_loop3A_224 : i32 to index
        %parallel_loop3A_374 = arith.constant 112 : index
        %parallel_loop3A_375 = tpu.vector_load %arg10[%parallel_loop3A_372, %parallel_loop3A_373, %parallel_loop3A_374] {strides = array<i32>} : memref<2x40x128xf32, #tpu.memory_space<vmem>>, vector<1x1x16xf32>,
        %parallel_loop3A_376 = vector.shape_cast %parallel_loop3A_375 : vector<1x1x16xf32> to vector<16xf32>
        %parallel_loop3A_377 = arith.subf %parallel_loop3A_370, %parallel_loop3A_376 : vector<16xf32>
        %parallel_loop3A_378 = arith.constant 1 : i32
        %parallel_loop3A_379 = arith.index_cast %parallel_loop3A_378 : i32 to index
        %parallel_loop3A_380 = arith.index_cast %parallel_loop3A_224 : i32 to index
        %parallel_loop3A_381 = arith.constant 112 : index
        %parallel_loop3A_382 = tpu.vector_load %arg11[%parallel_loop3A_379, %parallel_loop3A_380, %parallel_loop3A_381] {strides = array<i32>} : memref<2x40x128xf32, #tpu.memory_space<vmem>>, vector<1x1x16xf32>,
        %parallel_loop3A_383 = vector.shape_cast %parallel_loop3A_382 : vector<1x1x16xf32> to vector<16xf32>
        %parallel_loop3A_384 = vector.shape_cast %parallel_loop3A_377 : vector<16xf32> to vector<1x1x16xf32>
        tpu.vector_store %arg11[%parallel_loop3A_379, %parallel_loop3A_380, %parallel_loop3A_381], %parallel_loop3A_384 {strides = array<i32>} : memref<2x40x128xf32, #tpu.memory_space<vmem>>, vector<1x1x16xf32>,
      } {sc.loop_unroll_factor = 4 : i64, sc.parallel_access}
      %dma_start3A_201 = arith.constant 1 : i32
      %dma_start3A_202 = arith.constant 1 : i32
      %dma_start3A_203 = arith.constant 0 : i32
      %dma_start3A_204 = arith.constant 0 : i32
      %dma_start3A_205 = tpu.memref_slice %arg11[%dma_start3A_201, %dma_start3A_203, %dma_start3A_204] : memref<2x40x128xf32, #tpu.memory_space<vmem>> -> memref<1x40x128xf32, #tpu.memory_space<vmem>>
      %dma_start3A_206 = tpu.memref_squeeze %dma_start3A_205 : memref<1x40x128xf32, #tpu.memory_space<vmem>> -> memref<40x128xf32, #tpu.memory_space<vmem>>
      %dma_start3A_207 = arith.constant 0 : i32
      %dma_start3A_208 = tpu.memref_slice %arg5[%add3A_166, %dma_start3A_207] : memref<320000x128xf32, #tpu.memory_space<hbm>> -> memref<40x128xf32, #tpu.memory_space<hbm>>
      %dma_start3A_209 = tpu.memref_slice %arg13[%dma_start3A_202] : memref<2x!tpu.dma_semaphore, #tpu.memory_space<semaphore_mem>> -> memref<1x!tpu.dma_semaphore, #tpu.memory_space<semaphore_mem>>
      %dma_start3A_210 = tpu.memref_squeeze %dma_start3A_209 : memref<1x!tpu.dma_semaphore, #tpu.memory_space<semaphore_mem>> -> memref<!tpu.dma_semaphore, #tpu.memory_space<semaphore_mem>>
      %dma_start3A_211 = arith.constant 0 : i32
      %dma_start3A_212 = tpu.memref_slice %arg5[%add3A_166, %dma_start3A_211] : memref<320000x128xf32, #tpu.memory_space<hbm>> -> memref<40x128xf32, #tpu.memory_space<hbm>>
      %dma_start3A_213 = arith.constant 0 : i32
      %dma_start3A_214 = arith.constant 0 : i32
      %dma_start3A_215 = tpu.memref_slice %arg11[%dma_start3A_201, %dma_start3A_213, %dma_start3A_214] : memref<2x40x128xf32, #tpu.memory_space<vmem>> -> memref<1x40x128xf32, #tpu.memory_space<vmem>>
      %dma_start3A_216 = tpu.memref_squeeze %dma_start3A_215 : memref<1x40x128xf32, #tpu.memory_space<vmem>> -> memref<40x128xf32, #tpu.memory_space<vmem>>
      tpu.enqueue_dma source(%dma_start3A_216 : memref<40x128xf32, #tpu.memory_space<vmem>>) target(%dma_start3A_212 : memref<40x128xf32, #tpu.memory_space<hbm>>) target_semaphore(%dma_start3A_210 : memref<!tpu.dma_semaphore, #tpu.memory_space<semaphore_mem>>)
      %add3A_217 = arith.constant 2 : i32
      %add3A_218 = arith.addi %add3A_163, %add3A_217 : i32
      %lt3A_219 = arith.constant 250 : i32
      %lt3A_220 = arith.cmpi slt, %add3A_218, %lt3A_219 : i32
      %convert_element_type3A_221 = arith.extui %lt3A_220 : i1 to i32
      %cond3A_222 = arith.constant 0 : i32
      %cond3A_223 = arith.cmpi ne, %convert_element_type3A_221, %cond3A_222 : i32
      scf.if %cond3A_223 {
        %add3A_224 = arith.constant 2 : i32
        %add3A_225 = arith.addi %add3A_163, %add3A_224 : i32
        %mul3A_226 = arith.constant 40 : i32
        %mul3A_227 = arith.muli %add3A_225, %mul3A_226 : i32
        %dma_start3A_228 = arith.constant 1 : i32
        %dma_start3A_229 = arith.constant 1 : i32
        %dma_start3A_230 = arith.constant 0 : i32
        %dma_start3A_231 = arith.constant 0 : i32
        %dma_start3A_232 = tpu.memref_slice %arg9[%dma_start3A_228, %dma_start3A_230, %dma_start3A_231] : memref<2x40x128xf32, #tpu.memory_space<vmem>> -> memref<1x40x128xf32, #tpu.memory_space<vmem>>
        %dma_start3A_233 = tpu.memref_squeeze %dma_start3A_232 : memref<1x40x128xf32, #tpu.memory_space<vmem>> -> memref<40x128xf32, #tpu.memory_space<vmem>>
        %dma_start3A_234 = tpu.memref_slice %arg7[%mul3A_227] : memref<10000xi32, #tpu.memory_space<vmem>> -> memref<40xi32, #tpu.memory_space<vmem>>
        %dma_start3A_235 = arith.constant 0 : i32
        %dma_start3A_236 = arith.constant 0 : i32
        %dma_start3A_237 = tpu.memref_slice %arg6[%dma_start3A_235, %dma_start3A_236] : memref<10000x128xf32, #tpu.memory_space<vmem_shared>> -> memref<10000x128xf32, #tpu.memory_space<vmem_shared>>
        %dma_start3A_238 = tpu.memref_slice %arg12[%dma_start3A_229] : memref<2x!tpu.dma_semaphore, #tpu.memory_space<semaphore_mem>> -> memref<1x!tpu.dma_semaphore, #tpu.memory_space<semaphore_mem>>
        %dma_start3A_239 = tpu.memref_squeeze %dma_start3A_238 : memref<1x!tpu.dma_semaphore, #tpu.memory_space<semaphore_mem>> -> memref<!tpu.dma_semaphore, #tpu.memory_space<semaphore_mem>>
        tpu.enqueue_indirect_dma source(%dma_start3A_237 : memref<10000x128xf32, #tpu.memory_space<vmem_shared>>) target(%dma_start3A_233 : memref<40x128xf32, #tpu.memory_space<vmem>>) offsets(%dma_start3A_234 : memref<40xi32, #tpu.memory_space<vmem>>) semaphore(%dma_start3A_239 : memref<!tpu.dma_semaphore, #tpu.memory_space<semaphore_mem>>)
        %mul3A_240 = arith.constant 40 : i32
        %mul3A_241 = arith.muli %add3A_225, %mul3A_240 : i32
        %dma_start3A_242 = arith.constant 1 : i32
        %dma_start3A_243 = arith.constant 1 : i32
        %dma_start3A_244 = arith.constant 0 : i32
        %dma_start3A_245 = arith.constant 0 : i32
        %dma_start3A_246 = tpu.memref_slice %arg10[%dma_start3A_242, %dma_start3A_244, %dma_start3A_245] : memref<2x40x128xf32, #tpu.memory_space<vmem>> -> memref<1x40x128xf32, #tpu.memory_space<vmem>>
        %dma_start3A_247 = tpu.memref_squeeze %dma_start3A_246 : memref<1x40x128xf32, #tpu.memory_space<vmem>> -> memref<40x128xf32, #tpu.memory_space<vmem>>
        %dma_start3A_248 = tpu.memref_slice %arg8[%mul3A_241] : memref<10000xi32, #tpu.memory_space<vmem>> -> memref<40xi32, #tpu.memory_space<vmem>>
        %dma_start3A_249 = arith.constant 0 : i32
        %dma_start3A_250 = arith.constant 0 : i32
        %dma_start3A_251 = tpu.memref_slice %arg6[%dma_start3A_249, %dma_start3A_250] : memref<10000x128xf32, #tpu.memory_space<vmem_shared>> -> memref<10000x128xf32, #tpu.memory_space<vmem_shared>>
        %dma_start3A_252 = tpu.memref_slice %arg12[%dma_start3A_243] : memref<2x!tpu.dma_semaphore, #tpu.memory_space<semaphore_mem>> -> memref<1x!tpu.dma_semaphore, #tpu.memory_space<semaphore_mem>>
        %dma_start3A_253 = tpu.memref_squeeze %dma_start3A_252 : memref<1x!tpu.dma_semaphore, #tpu.memory_space<semaphore_mem>> -> memref<!tpu.dma_semaphore, #tpu.memory_space<semaphore_mem>>
        tpu.enqueue_indirect_dma source(%dma_start3A_251 : memref<10000x128xf32, #tpu.memory_space<vmem_shared>>) target(%dma_start3A_247 : memref<40x128xf32, #tpu.memory_space<vmem>>) offsets(%dma_start3A_248 : memref<40xi32, #tpu.memory_space<vmem>>) semaphore(%dma_start3A_253 : memref<!tpu.dma_semaphore, #tpu.memory_space<semaphore_mem>>)
      } else {
      }
    }
    %scan3A_62 = arith.constant 125 : i32
    %add3A_63 = arith.constant 9920 : i32
    %add3A_64 = arith.addi %mul3A_2, %add3A_63 : i32
    %dma_wait3A = arith.constant 0 : i32
    %dma_wait3A_65 = arith.constant 0 : i32
    %dma_wait3A_66 = arith.constant 0 : i32
    %dma_wait3A_67 = arith.constant 0 : i32
    %dma_wait3A_68 = tpu.memref_slice %arg11[%dma_wait3A, %dma_wait3A_66, %dma_wait3A_67] : memref<2x40x128xf32, #tpu.memory_space<vmem>> -> memref<1x40x128xf32, #tpu.memory_space<vmem>>
    %dma_wait3A_69 = tpu.memref_squeeze %dma_wait3A_68 : memref<1x40x128xf32, #tpu.memory_space<vmem>> -> memref<40x128xf32, #tpu.memory_space<vmem>>
    %dma_wait3A_70 = arith.constant 0 : i32
    %dma_wait3A_71 = tpu.memref_slice %arg5[%add3A_64, %dma_wait3A_70] : memref<320000x128xf32, #tpu.memory_space<hbm>> -> memref<40x128xf32, #tpu.memory_space<hbm>>
    %dma_wait3A_72 = tpu.memref_slice %arg13[%dma_wait3A_65] : memref<2x!tpu.dma_semaphore, #tpu.memory_space<semaphore_mem>> -> memref<1x!tpu.dma_semaphore, #tpu.memory_space<semaphore_mem>>
    %dma_wait3A_73 = tpu.memref_squeeze %dma_wait3A_72 : memref<1x!tpu.dma_semaphore, #tpu.memory_space<semaphore_mem>> -> memref<!tpu.dma_semaphore, #tpu.memory_space<semaphore_mem>>
    %dma_wait3A_74 = arith.constant 0 : i32
    %dma_wait3A_75 = tpu.memref_slice %arg5[%add3A_64, %dma_wait3A_74] : memref<320000x128xf32, #tpu.memory_space<hbm>> -> memref<40x128xf32, #tpu.memory_space<hbm>>
    %dma_wait3A_76 = arith.constant 0 : i32
    %dma_wait3A_77 = arith.constant 0 : i32
    %dma_wait3A_78 = tpu.memref_slice %arg11[%dma_wait3A, %dma_wait3A_76, %dma_wait3A_77] : memref<2x40x128xf32, #tpu.memory_space<vmem>> -> memref<1x40x128xf32, #tpu.memory_space<vmem>>
    %dma_wait3A_79 = tpu.memref_squeeze %dma_wait3A_78 : memref<1x40x128xf32, #tpu.memory_space<vmem>> -> memref<40x128xf32, #tpu.memory_space<vmem>>
    tpu.wait_dma2 semaphore(%dma_wait3A_73 : memref<!tpu.dma_semaphore, #tpu.memory_space<semaphore_mem>>) src(%dma_wait3A_79 : memref<40x128xf32, #tpu.memory_space<vmem>>) dst(%dma_wait3A_75 : memref<40x128xf32, #tpu.memory_space<hbm>>)
    %add3A_80 = arith.constant 9960 : i32
    %add3A_81 = arith.addi %mul3A_2, %add3A_80 : i32
    %dma_wait3A_82 = arith.constant 1 : i32
    %dma_wait3A_83 = arith.constant 1 : i32
    %dma_wait3A_84 = arith.constant 0 : i32
    %dma_wait3A_85 = arith.constant 0 : i32
    %dma_wait3A_86 = tpu.memref_slice %arg11[%dma_wait3A_82, %dma_wait3A_84, %dma_wait3A_85] : memref<2x40x128xf32, #tpu.memory_space<vmem>> -> memref<1x40x128xf32, #tpu.memory_space<vmem>>
    %dma_wait3A_87 = tpu.memref_squeeze %dma_wait3A_86 : memref<1x40x128xf32, #tpu.memory_space<vmem>> -> memref<40x128xf32, #tpu.memory_space<vmem>>
    %dma_wait3A_88 = arith.constant 0 : i32
    %dma_wait3A_89 = tpu.memref_slice %arg5[%add3A_81, %dma_wait3A_88] : memref<320000x128xf32, #tpu.memory_space<hbm>> -> memref<40x128xf32, #tpu.memory_space<hbm>>
    %dma_wait3A_90 = tpu.memref_slice %arg13[%dma_wait3A_83] : memref<2x!tpu.dma_semaphore, #tpu.memory_space<semaphore_mem>> -> memref<1x!tpu.dma_semaphore, #tpu.memory_space<semaphore_mem>>
    %dma_wait3A_91 = tpu.memref_squeeze %dma_wait3A_90 : memref<1x!tpu.dma_semaphore, #tpu.memory_space<semaphore_mem>> -> memref<!tpu.dma_semaphore, #tpu.memory_space<semaphore_mem>>
    %dma_wait3A_92 = arith.constant 0 : i32
    %dma_wait3A_93 = tpu.memref_slice %arg5[%add3A_81, %dma_wait3A_92] : memref<320000x128xf32, #tpu.memory_space<hbm>> -> memref<40x128xf32, #tpu.memory_space<hbm>>
    %dma_wait3A_94 = arith.constant 0 : i32
    %dma_wait3A_95 = arith.constant 0 : i32
    %dma_wait3A_96 = tpu.memref_slice %arg11[%dma_wait3A_82, %dma_wait3A_94, %dma_wait3A_95] : memref<2x40x128xf32, #tpu.memory_space<vmem>> -> memref<1x40x128xf32, #tpu.memory_space<vmem>>
    %dma_wait3A_97 = tpu.memref_squeeze %dma_wait3A_96 : memref<1x40x128xf32, #tpu.memory_space<vmem>> -> memref<40x128xf32, #tpu.memory_space<vmem>>
    tpu.wait_dma2 semaphore(%dma_wait3A_91 : memref<!tpu.dma_semaphore, #tpu.memory_space<semaphore_mem>>) src(%dma_wait3A_97 : memref<40x128xf32, #tpu.memory_space<vmem>>) dst(%dma_wait3A_93 : memref<40x128xf32, #tpu.memory_space<hbm>>)
    return
  }
}

</mosaic_0001>

<sc_bundles>
// kernel: kernel.3.cloned.1.call-start
scs
__scs_entry_jumppad:
0x0: {  	(pc) =	sbr.rel $0x88, $3  }
0x1: {  	(tag) =	ssettag $0x0;
	lr =	simm.s32 $0x1  }
0x2: {  	[smem:$0x3F9F] =	sst lr;
	_ =	strace $0xD0000000  }
0x3: {  	_ = 	snop  }
0x4: {  	_ = 	snop  }
0x5: {  	_ = 	snop  }
0x6: {  	_ = 	snop  }
0x7: {  	_ = 	snop  }
__scs_overlays_trampoline_lowered:
0x8: {  	[smem:$0x3FAE] =	sst s0  }
0x9: {  	[smem:$0x3FAF] =	sst s1  }
0xa: {  	[smem:$0x3FB0] =	sst s2  }
0xb: {  	[smem:$0x3FB1] =	sst s3  }
0xc: {  	[smem:$0x3FB2] =	sst s4  }
0xd: {  	[smem:$0x3FB3] =	sst s5  }
0xe: {  	[smem:$0x3FB4] =	sst s6  }
0xf: {  	[smem:$0x3FB5] =	sst s7  }
0x10: {  	[smem:$0x3FB6] =	sst s8  }
0x11: {  	[smem:$0x3FB7] =	sst s9;
	s0 =	simm.s32 @!p0 $0x0  }
0x12: {  	s1 =	sld [smem:$0x3F9D];
	s0 =	simm.s32 @p0 $0x1  }
0x13: {  	[smem:$0x3FB8] =	sst s0;
	s0 =	simm.s32 @!p1 $0x0  }
0x14: {  	s2 =	sld [smem:$0x3F9C];
	s0 =	simm.s32 @p1 $0x1  }
0x15: {  	[smem:$0x3FB9] =	sst s0;
	s0 =	simm.s32 @!p2 $0x0  }
0x16: {  	s3 =	sld [smem:$0x3FDB];
	s0 =	simm.s32 @p2 $0x1  }
0x17: {  	s4 =	simm.s32 $0x1BF5;
	[smem:$0x3FBB] =	sst s0  }
0x18: {  	s0 =	sld [smem:$0x3F9E];
	_ =	swait.ge [sflag:s4], $0x0  }
0x19: {  	s7 =	sld [smem:$0x3F9F]  }
0x1a: {  	s8 =	sadd.s32 $0xFFFFE003, lr  }
0x1b: {  	s9 =	sadd.s32 $0xFFFFFEF7, lr;
	s5 =	simm.s32 $0xFFFFFFFF;
	p2 =	slt.u32 s8, $0xFFFFF086  }
0x1c: {  	p1 =	slt.u32 s9, $0xF7A;
	s5 =	simm.s32 @!p2 $0x0  }
0x1d: {  	s5 =	simm.s32 @p1 $0x1;
	p0 =	seq.s32 s7, s2  }
0x1e: {  	s7 =	smul.u32 @!p0 $0xF7A, s2;
	p2 =	seq.s32 @!p0 s5, $0x0  }
0x1f: {  	s9 =	smul.u32 $0xF7A, s1;
	s8 =	simm.s32 @!p0 $0x1BF5;
	p2 =	por !p2, p0  }
0x20: {  	[sflag:s8] =	ssyncset.s32 @!p0 $0xFFFFF086;
	s6 =	sadd.s32 @!p0 s3, s7;
	s7 =	simm.s32 @!p0 $0x108  }
0x21: {  	s3 =	sadd.s32 s3, s9;
	s6 =	sadd.s32 @!p0 $0x88, s6;
	s7 =	simm.s32 @p2 $0x1082  }
0x22: {  	[simem:s7], [sflag:s8] =	dma.local @!p0 [hbm:s6], $0xF7A  }
0x23: {  	s9 =	sor.u32 $0xD0000000, s2;
	s6 =	simm.s32 $0x108;
	_ =	swait.ge @!p0 [sflag:s8], $0x0  }
0x24: {  	s3 =	sadd.s32 $0x88, s3;
	s6 =	simm.s32 @!p1 $0x1082;
	[sflag:s4] =	ssyncset.s32 $0xFFFFF086  }
0x25: {  	[simem:s6], [sflag:s4] =	dma.local [hbm:s3], $0xF7A  }
0x26: {  	[smem:$0x3F9F] =	sst s1;
	(tag) =	ssettag s2;
	_ =	strace s9  }
0x27: {  	s1 =	sld [smem:$0x3FAF]  }
0x28: {  	s2 =	sld [smem:$0x3FB0]  }
0x29: {  	s4 =	sld [smem:$0x3FB2]  }
0x2a: {  	p0 =	seq.s32 s5, $0x0;
	s5 =	sld [smem:$0x3FB3]  }
0x2b: {  	s6 =	sld [smem:$0x3FB4]  }
0x2c: {  	s7 =	sld [smem:$0x3FB5]  }
0x2d: {  	s3 =	simm.s32 $0x108;
	s8 =	sld [smem:$0x3FB6]  }
0x2e: {  	s3 =	simm.s32 @!p0 $0x1082;
	s9 =	sld [smem:$0x3FB7]  }
0x2f: {  	lr =	sadd.s32 s0, s3;
	s0 =	sld [smem:$0x3FAE]  }
0x30: {  	s3 =	sld [smem:$0x3FB1]  }
0x31: {  	[smem:$0x3FBA] =	sst s10  }
0x32: {  	s10 =	sld [smem:$0x3FB8];
	_ =	sdelay $0x3  }
0x33: {  	p0 =	seq.s32 s10, $0x1;
	s10 =	sld [smem:$0x3FBA];
	_ =	sdelay $0x3  }
0x34: {  	[smem:$0x3FBA] =	sst s10  }
0x35: {  	s10 =	sld [smem:$0x3FB9];
	_ =	sdelay $0x3  }
0x36: {  	p1 =	seq.s32 s10, $0x1;
	s10 =	sld [smem:$0x3FBA];
	_ =	sdelay $0x3  }
0x37: {  	[smem:$0x3FBA] =	sst s10  }
0x38: {  	s10 =	sld [smem:$0x3FBB]  }
0x39: {  	_ = 	snop;
	(pc) =	sbr.ind lr, $3  }
0x3a: {  	_ = 	snop  }
0x3b: {  	_ = 	snop  }
0x3c: {  	p2 =	seq.s32 s10, $0x1;
	s10 =	sld [smem:$0x3FBA]  }
0x3d: {  	_ =	shalt  }
0x3e: {  	_ =	shalt  }
0x3f: {  	_ =	shalt  }
0x40: {  	_ =	shalt  }
0x41: {  	_ =	shalt  }
0x42: {  	_ =	shalt  }
0x43: {  	_ =	shalt  }
0x44: {  	_ =	shalt  }
0x45: {  	_ =	shalt  }
0x46: {  	_ =	shalt  }
0x47: {  	_ =	shalt  }
0x48: {  	_ =	shalt  }
0x49: {  	_ =	shalt  }
0x4a: {  	_ =	shalt  }
0x4b: {  	_ =	shalt  }
0x4c: {  	_ =	shalt  }
0x4d: {  	_ =	shalt  }
0x4e: {  	_ =	shalt  }
0x4f: {  	_ =	shalt  }
0x50: {  	_ =	shalt  }
0x51: {  	_ =	shalt  }
0x52: {  	_ =	shalt  }
0x53: {  	_ =	shalt  }
0x54: {  	_ =	shalt  }
0x55: {  	_ =	shalt  }
0x56: {  	_ =	shalt  }
0x57: {  	_ =	shalt  }
0x58: {  	_ =	shalt  }
0x59: {  	_ =	shalt  }
0x5a: {  	_ =	shalt  }
0x5b: {  	_ =	shalt  }
0x5c: {  	_ =	shalt  }
0x5d: {  	_ =	shalt  }
0x5e: {  	_ =	shalt  }
0x5f: {  	_ =	shalt  }
0x60: {  	_ =	shalt  }
0x61: {  	_ =	shalt  }
0x62: {  	_ =	shalt  }
0x63: {  	_ =	shalt  }
0x64: {  	_ =	shalt  }
0x65: {  	_ =	shalt  }
0x66: {  	_ =	shalt  }
0x67: {  	_ =	shalt  }
0x68: {  	_ =	shalt  }
0x69: {  	_ =	shalt  }
0x6a: {  	_ =	shalt  }
0x6b: {  	_ =	shalt  }
0x6c: {  	_ =	shalt  }
0x6d: {  	_ =	shalt  }
0x6e: {  	_ =	shalt  }
0x6f: {  	_ =	shalt  }
0x70: {  	_ =	shalt  }
0x71: {  	_ =	shalt  }
0x72: {  	_ =	shalt  }
0x73: {  	_ =	shalt  }
0x74: {  	_ =	shalt  }
0x75: {  	_ =	shalt  }
0x76: {  	_ =	shalt  }
0x77: {  	_ =	shalt  }
0x78: {  	_ =	shalt  }
0x79: {  	_ =	shalt  }
0x7a: {  	_ =	shalt  }
0x7b: {  	_ =	shalt  }
0x7c: {  	_ =	shalt  }
0x7d: {  	_ =	shalt  }
0x7e: {  	_ =	shalt  }
0x7f: {  	_ =	shalt  }
0x80: {  	_ =	shalt  }
0x81: {  	_ =	shalt  }
0x82: {  	_ =	shalt  }
0x83: {  	_ =	shalt  }
0x84: {  	_ =	shalt  }
0x85: {  	_ =	shalt  }
0x86: {  	_ =	shalt  }
0x87: {  	_ =	shalt  }
.Lfunc_end0:
.L_simem_size_0:
called_computation_lowered:
.L_overlay_start_0:
0x88: {  	s2 =	sld [smem:$0x3FD9]  }
0x89: {  	s3 =	sld [smem:$0x3FFE];
	_ =	sdelay $0x1  }
0x8a: {  	s1 =	srdreg.scid  }
0x8b: {  	s0 =	sand.u32 $0x1, s1  }
0x8c: {  	s17 =	sshll.u32 s0, $0xA;
	s2 =	sadd.s32 s3, s2  }
0x8d: {  	s2 =	sadd.s32 s2, s17  }
0x8e: {  	[smem:$0x3FC6] =	sst s2  }
0x8f: {  	_ = 	snop  }
0x90: {  	s2 =	sld [smem:$0x3FC9]  }
0x91: {  	s18 =	sld [smem:$0x3FD0];
	(tm) =	ssettm $0x1  }
0x92: {  	s4 =	sld [smem:$0x3FFB];
	_ =	sdelay $0x3  }
0x93: {  	_ =	strace s4  }
0x94: {  	s4 =	sld [smem:$0x3FFC];
	_ =	sdelay $0x3  }
0x95: {  	_ =	strace s4  }
0x96: {  	s4 =	sld [smem:$0x3FFD];
	_ =	sdelay $0x3  }
0x97: {  	_ =	strace s4  }
0x98: {  	_ =	strace $0x8FFFFFFF  }
0x99: {  	s19 =	sld [smem:$0x3FDB];
	_ =	sdelay $0x1  }
0x9a: {  	s5 =	simm.s32 $_scs_section_size  }
0x9b: {  	s6 =	simm.s32 $_size__tile_overlayer_lowered;
	s7 =	simm.s32 $_tile_overlayer_lowered  }
0x9c: {  	s22 =	simm.s32 $0x1BFF;
	s21 =	sshll.u32 s7, $0x1;
	s4 =	sadd.s32 s5, s19  }
0x9d: {  	s8 =	simm.s32 $0x0;
	s20 =	sshll.u32 s6, $0x1;
	s6 =	sadd.s32 s21, s4  }
0x9e: {  	[timem:s8], [sflag:s22] =	dma.local [hbm:s6], s20  }
0x9f: {  	_ =	swait.ge [sflag:s22], s20  }
0xa0: {  	s5 =	ssub.s32 $0x0, s20;
	[sflag:s22] =	ssyncset.done $0x0  }
0xa1: {  	[sflag:s22] =	ssyncadd.s32 s5;
	_ =	sdelay $0x1  }
0xa2: {  	s23 =	simm.s32 $0x1B8B  }
0xa3: {  	_ =	swait.ge [sflag:s23], $0x1  }
0xa4: {  	[sflag:s23] =	ssyncset.done $0x0  }
0xa5: {  	s25 =	simm.s32 $0x1B8E;
	s24 =	sld [smem:$0x3FFE];
	[sflag:s23] =	ssyncadd.s32 $0xFFFFFFFF  }
0xa6: {  	s26 =	simm.s32 $execute0_lowered;
	[smem:$0x3FD2] =	sst s25  }
0xa7: {  	s6 =	sshll.u32 s26, $0x1;
	_ =	strace $0x80000046;
	[dreg:$0x1] =	wrdreg $0xFFFFFFFF  }
0xa8: {  	s28 =	simm.s32 $_size_execute0_lowered;
	s4 =	sadd.s32 s4, s6;
	[dreg:$0x0] =	wrdreg $0x0  }
0xa9: {  	s6 =	sshll.u32 s28, $0x1;
	[dreg:$0x2] =	wrdreg s4  }
0xaa: {  	[dreg:$0x3] =	wrdreg s6  }
0xab: {  	[dreg:$0x4] =	wrdreg $0xC0  }
0xac: {  	_ =	task [dreg:s8], $0x5FFFF  }
0xad: {  	[dreg:$0x1] =	wrdreg $0xFFFFFFFF  }
0xae: {  	[dreg:$0x0] =	wrdreg $0x60  }
0xaf: {  	[dreg:$0x2] =	wrdreg s2  }
0xb0: {  	[dreg:$0x3] =	wrdreg s24  }
0xb1: {  	[dreg:$0x4] =	wrdreg s18  }
0xb2: {  	[dreg:$0x5] =	wrdreg $0x0  }
0xb3: {  	[dreg:$0x6] =	wrdreg $0x9  }
0xb4: {  	_ =	task.clear_ibuf [dreg:s8], $0x7FFFF;
	_ =	strace $0x90000046  }
0xb5: {  	s29 =	simm.s32 $0x9;
	_ =	strace $0x80000048  }
0xb6: {  	_ =	swait.ge [sflag:s29], $0x1  }
0xb7: {  	[sflag:s29] =	ssyncadd.s32 $0xFFFFFFFF  }
0xb8: {  	_ =	strace $0x90000048  }
0xb9: {  	_ =	sfence  }
0xba: {  	s30 =	sld [smem:$0x0];
	_ =	sdelay $0x2  }
0xbb: {  	s31 =	sshll.u32 s1, $0xD;
	s1 =	sshrl.u32 s1, $0x2  }
0xbc: {  	s3 =	sand.u32 $0x4000, s31;
	s1 =	sadd.s32 s1, s30  }
0xbd: {  	s0 =	sor.u32 s3, s0;
	s1 =	sshll.u32 s1, $0x11  }
0xbe: {  	s0 =	sor.u32 s1, s0  }
0xbf: {  	s0 =	sadd.s32 $0x8F2B, s0  }
0xc0: {  	[sflag:s0] =	ssyncadd.remote.s32 $0x1  }
0xc1: {  	_ =	sfence.sel $0xFFFF  }
0xc2: {  	[dreg:$0x0] =	wrdreg $0xFFFFFFFF;
	(pc) =	sbr.abs _section_cstart, $3  }
0xc3: {  	[dreg:$0x1] =	wrdreg $0xFFFFFFFF  }
0xc4: {  	_ =	task.clear_ibuf [dreg:s8], $0x2FFFF;
	_ =	strace $0x9FFFFFFF  }
0xc5: {  	(tm) =	ssettm $0x7FFFFFFF  }
tec
execute0_lowered:
.L_overlay_start_1:
0x0: {  	(tag) =	ssettag $0x1  }
0x1: {  	s0 =	rddreg [dreg:$0x0]  }
0x2: {  	s1 =	rddreg [dreg:$0x1]  }
0x3: {  	s2 =	rddreg [dreg:$0x2]  }
0x4: {  	s3 =	rddreg [dreg:$0x3]  }
0x5: {  	s4 =	srdreg.scid;
	s13 =	stileid.u32  }
0x6: {  	s14 =	simm.s32 $0x5;
	s18 =	simm.s32 $0x28;
	s28 =	simm.s32 $0x2  }
0x7: {  	s29 =	simm.s32 $0x1EB80;
	s30 =	simm.s32 $0x3;
	s31 =	simm.s32 $0x4  }
0x8: {  	s5 =	sand.u32 $0x1, s4;
	s6 =	sshll.u32 s13, $0x1;
	s7 =	smul.u32 $0x4E000, s13  }
0x9: {  	s4 =	simm.s32 $0x0;
	s9 =	smul.u32 $0x2700, s13;
	s24 =	sshll.u32 s13, $0x6  }
0xa: {  	p0 =	sne.s32 s13, $0xF;
	s6 =	sor.u32 s5, s6;
	s8 =	ssub.s32 $0x2, s5  }
0xb: {  	[smem:$0x7FF] =	sst s4;
	s5 =	smul.u32 $0x2710, s6;
	s22 =	sshrl.u32 s8, $0x1  }
0xc: {  	s7 =	sshrl.u32 s7, $0x2;
	_ =	strace $0x80000047;
	s23 =	sadd.s32 s0, s9  }
0xd: {  	s9 =	sadd.s32 $0x138000, s3;
	s0 =	sadd.s32 $0x27000, s0;
	s6 =	ssub.s32 s8, s22  }
0xe: {  	s10 =	sadd.s32 s7, s3;
	[dreg:$0x5] =	wrdreg s23;
	s7 =	sor.u32 $0x1C05, s24  }
.Ltmp0:
0xf: {  	[dreg:$0x6] =	wrdreg s0;
	s15 =	sshrl.u32 @!p0 s9, $0x3;
	(pc) =	sbr.rel .LBB2_1-.Ltmp0, $4  }
0x10: {  	s22 =	simm.s32 $0x19B80;
	s24 =	simm.s32 $0x1C380;
	s25 =	sshrl.u32 s5, $0x3  }
0x11: {  	s0 =	simm.s32 $0x0;
	s11 =	sadd.s32 $0x28, s5;
	s8 =	sadd.s32 s1, s25  }
0x12: {  	s12 =	smax.u32 s6, $0x1;
	s13 =	sshrl.u32 s10, $0x3;
	s26 =	sadd.s32 $0x9E00, s8  }
0x13: {  	s25 =	simm.s32 $0x1;
	[dreg:$0x7] =	wrdreg s26;
	s26 =	simm.s32 $0x1D780  }
.LBB2_8:
0x14: {  	s0 =	sadd.s32 $0x1, s0  }
0x15: {  	_ =	swait.ge [sflag:s30], $0x1400;
	p1 =	sne.s32 s0, s12  }
.Ltmp1:
0x16: {  	[sflag:s30] =	ssyncset.done $0x0;
	(pc) =	sbr.rel @!p1 .LBB2_9-.Ltmp1, $4  }
0x17: {  	[sflag:s30] =	ssyncadd.s32 $0xFFFFEC00  }
0x18: {  	_ =	swait.ge [sflag:s31], $0x1400  }
0x19: {  	[sflag:s31] =	ssyncset.done $0x0  }
0x1a: {  	[sflag:s31] =	ssyncadd.s32 $0xFFFFEC00  }
.LBB2_1:
0x1b: {  	s1 =	rddreg [dreg:$0x5]  }
0x1c: {  	[spmem:s13], [sflag:s7] =	dma.local [hbm:s1], $0x2700  }
0x1d: {  	_ =	swait.ge [sflag:s14], $0x2700  }
0x1e: {  	[sflag:s14] =	ssyncset.done $0x0  }
0x1f: {  	s1 =	rddreg [dreg:$0x6];
	[sflag:s14] =	ssyncadd.s32 $0xFFFFD900  }
0x20: {  	[spmem:s15], [sflag:s7] =	dma.local @!p0 [hbm:s1], $0x100  }
0x21: {  	s1 =	simm.s32 @!p0 $0x5  }
0x22: {  	_ =	swait.ge @!p0 [sflag:s1], $0x100  }
0x23: {  	[sflag:s1] =	ssyncset.done @!p0 $0x0  }
0x24: {  	s6 =	simm.s32 $0x13880;
	s17 =	rddreg [dreg:$0x7];
	[sflag:s1] =	ssyncadd.s32 @!p0 $0xFFFFFF00  }
0x25: {  	[tilespmem:s6], [sflag:$0x5] =	stream.linear.gather [hbm4b:s17+s4], $0x2710, $0x38;
	[tilespmem:$0x1FF80] =	vst v63  }
0x26: {  	_ =	swait.ge [sflag:s14], $0x2710  }
0x27: {  	[sflag:s14] =	ssyncset.done $0x0  }
0x28: {  	s19 =	simm.s32 $0x16000;
	[sflag:s14] =	ssyncadd.s32 $0xFFFFD8F0  }
0x29: {  	[tilespmem:s19], [sflag:$0x5] =	stream.linear.gather [hbm4b:s8+s4], $0x2710, $0x38;
	[tilespmem:$0x1FF80] =	vst v63  }
0x2a: {  	_ =	swait.ge [sflag:s14], $0x2710  }
0x2b: {  	[sflag:s14] =	ssyncset.done $0x0  }
0x2c: {  	[sflag:s14] =	ssyncadd.s32 $0xFFFFD8F0  }
0x2d: {  	s9 =	simm.s32 $0x18780;
	[bflag:$0x0] =	sbarrier.arrive $0xFFFF  }
0x2e: {  	[tilespmem:s9], [sflag:$0x1] =	stream.indirect.gather [spmem:s3], $0x80, s6, s18, $0xb8;
	[tilespmem:$0x1FF80] =	vst v63  }
0x2f: {  	s20 =	simm.s32 $0x1AF80  }
0x30: {  	[tilespmem:s20], [sflag:$0x1] =	stream.indirect.gather [spmem:s3], $0x80, s19, s18, $0xb8;
	[tilespmem:$0x1FF80] =	vst v63  }
0x31: {  	s21 =	simm.s32 $0x138A8  }
0x32: {  	[tilespmem:s22], [sflag:$0x2] =	stream.indirect.gather [spmem:s3], $0x80, s21, s18, $0xb8;
	[tilespmem:$0x1FF80] =	vst v63  }
0x33: {  	s23 =	simm.s32 $0x16028;
	s1 =	simm.s32 $0x0  }
0x34: {  	[tilespmem:s24], [sflag:$0x2] =	stream.indirect.gather [spmem:s3], $0x80, s23, s18, $0xb8;
	[tilespmem:$0x1FF80] =	vst v63  }
.LBB2_2:
0x35: {  	_ =	swait.ge [sflag:s25], $0x1400  }
0x36: {  	[sflag:s25] =	ssyncset.done $0x0  }
0x37: {  	[sflag:s25] =	ssyncadd.s32 $0xFFFFEC00  }
0x38: {  	_ =	swait.ge [sflag:s25], $0x1400  }
0x39: {  	p1 =	seq.s32 s1, $0x0;
	[sflag:s25] =	ssyncset.done $0x0  }
0x3a: {  	s6 =	simm.s32 @!p1 $0x3;
	[sflag:s25] =	ssyncadd.s32 $0xFFFFEC00  }
0x3b: {  	_ =	swait.ge @!p1 [sflag:s6], $0x1400  }
0x3c: {  	[sflag:s6] =	ssyncset.done @!p1 $0x0  }
0x3d: {  	s20 =	simm.s32 $0x18880;
	[sflag:s6] =	ssyncadd.s32 @!p1 $0xFFFFEC00  }
0x3e: {  	s21 =	simm.s32 $0x1B080;
	v0 =	vld [tilespmem:s20+$0x80]  }
0x3f: {  	v1 =	vld [tilespmem:s21+$0x80];
	_ =	sdelay $0x2  }
0x40: {  	v2 =	vld [tilespmem:s20+$0xFFFFFF80]  }
0x41: {  	v3 =	vld [tilespmem:s21+$0xFFFFFF80]  }
0x42: {  	v4 =	vld [tilespmem:s21+$0xFFFFFF00];
	v0 =	vsub.f32 v0, v1  }
0x43: {  	s23 =	simm.s32 $0x1D880;
	v1 =	vld [tilespmem:s20+$0xFFFFFF00]  }
0x44: {  	[tilespmem:s23+$0x80] =	vst v0  }
0x45: {  	v0 =	vld [tilespmem:s20+$0x90]  }
0x46: {  	v2 =	vsub.f32 v2, v3;
	v3 =	vld [tilespmem:s21+$0x90]  }
0x47: {  	v5 =	vld [tilespmem:s20+$0x0]  }
0x48: {  	v6 =	vld [tilespmem:s21+$0x0];
	[tilespmem:s23+$0xFFFFFF80] =	vst v2;
	v1 =	vsub.f32 v1, v4  }
0x49: {  	v2 =	vld [tilespmem:s20+$0xFFFFFF90]  }
0x4a: {  	v4 =	vld [tilespmem:s21+$0xFFFFFF90];
	[tilespmem:s23+$0xFFFFFF00] =	vst v1  }
0x4b: {  	v1 =	vld [tilespmem:s20+$0xFFFFFF10];
	v0 =	vsub.f32 v0, v3  }
0x4c: {  	v3 =	vld [tilespmem:s21+$0xFFFFFF10]  }
0x4d: {  	v5 =	vsub.f32 v5, v6;
	[tilespmem:s23+$0x90] =	vst v0  }
0x4e: {  	v0 =	vld [tilespmem:s20+$0xA0]  }
0x4f: {  	[tilespmem:s23+$0x0] =	vst v5;
	v2 =	vsub.f32 v2, v4;
	v4 =	vld [tilespmem:s21+$0xA0]  }
0x50: {  	v5 =	vld [tilespmem:s20+$0x10]  }
0x51: {  	v6 =	vld [tilespmem:s21+$0x10];
	[tilespmem:s23+$0xFFFFFF90] =	vst v2;
	v1 =	vsub.f32 v1, v3  }
0x52: {  	v2 =	vld [tilespmem:s20+$0xFFFFFFA0]  }
0x53: {  	v3 =	vld [tilespmem:s21+$0xFFFFFFA0];
	[tilespmem:s23+$0xFFFFFF10] =	vst v1  }
0x54: {  	v1 =	vld [tilespmem:s20+$0xFFFFFF20];
	v0 =	vsub.f32 v0, v4  }
0x55: {  	v4 =	vld [tilespmem:s21+$0xFFFFFF20]  }
0x56: {  	v5 =	vsub.f32 v5, v6;
	[tilespmem:s23+$0xA0] =	vst v0  }
0x57: {  	v0 =	vld [tilespmem:s20+$0xB0]  }
0x58: {  	[tilespmem:s23+$0x10] =	vst v5;
	v2 =	vsub.f32 v2, v3;
	v3 =	vld [tilespmem:s21+$0xB0]  }
0x59: {  	v5 =	vld [tilespmem:s20+$0x20]  }
0x5a: {  	[tilespmem:s23+$0xFFFFFFA0] =	vst v2;
	v2 =	vld [tilespmem:s21+$0x20];
	v1 =	vsub.f32 v1, v4  }
0x5b: {  	v4 =	vld [tilespmem:s20+$0xFFFFFFB0]  }
0x5c: {  	v6 =	vld [tilespmem:s21+$0xFFFFFFB0];
	[tilespmem:s23+$0xFFFFFF20] =	vst v1  }
0x5d: {  	v1 =	vld [tilespmem:s20+$0xFFFFFF30];
	v0 =	vsub.f32 v0, v3  }
0x5e: {  	v3 =	vld [tilespmem:s21+$0xFFFFFF30]  }
0x5f: {  	v2 =	vsub.f32 v5, v2;
	[tilespmem:s23+$0xB0] =	vst v0  }
0x60: {  	v0 =	vld [tilespmem:s20+$0xC0]  }
0x61: {  	v4 =	vsub.f32 v4, v6;
	[tilespmem:s23+$0x20] =	vst v2;
	v2 =	vld [tilespmem:s21+$0xC0]  }
0x62: {  	v5 =	vld [tilespmem:s20+$0x30]  }
0x63: {  	[tilespmem:s23+$0xFFFFFFB0] =	vst v4;
	v1 =	vsub.f32 v1, v3;
	v3 =	vld [tilespmem:s21+$0x30]  }
0x64: {  	v4 =	vld [tilespmem:s20+$0xFFFFFFC0]  }
0x65: {  	[tilespmem:s23+$0xFFFFFF30] =	vst v1;
	v1 =	vld [tilespmem:s21+$0xFFFFFFC0]  }
0x66: {  	v6 =	vld [tilespmem:s20+$0xFFFFFF40];
	v0 =	vsub.f32 v0, v2  }
0x67: {  	v2 =	vld [tilespmem:s21+$0xFFFFFF40]  }
0x68: {  	v3 =	vsub.f32 v5, v3;
	[tilespmem:s23+$0xC0] =	vst v0  }
0x69: {  	v0 =	vld [tilespmem:s20+$0xD0]  }
0x6a: {  	v1 =	vsub.f32 v4, v1;
	[tilespmem:s23+$0x30] =	vst v3;
	v3 =	vld [tilespmem:s21+$0xD0]  }
0x6b: {  	v4 =	vld [tilespmem:s20+$0x40]  }
0x6c: {  	v2 =	vsub.f32 v6, v2;
	[tilespmem:s23+$0xFFFFFFC0] =	vst v1;
	v1 =	vld [tilespmem:s21+$0x40]  }
0x6d: {  	v5 =	vld [tilespmem:s20+$0xFFFFFFD0]  }
0x6e: {  	[tilespmem:s23+$0xFFFFFF40] =	vst v2;
	v2 =	vld [tilespmem:s21+$0xFFFFFFD0]  }
0x6f: {  	v6 =	vld [tilespmem:s20+$0xFFFFFF50];
	v0 =	vsub.f32 v0, v3  }
0x70: {  	v3 =	vld [tilespmem:s21+$0xFFFFFF50]  }
0x71: {  	v1 =	vsub.f32 v4, v1;
	[tilespmem:s23+$0xD0] =	vst v0  }
0x72: {  	v7 =	vld [tilespmem:s20+$0xE0]  }
0x73: {  	v0 =	vsub.f32 v5, v2;
	v5 =	vld [tilespmem:s21+$0xE0];
	[tilespmem:s23+$0x40] =	vst v1  }
0x74: {  	v1 =	vld [tilespmem:s20+$0x50]  }
0x75: {  	v2 =	vsub.f32 v6, v3;
	[tilespmem:s23+$0xFFFFFFD0] =	vst v0;
	v4 =	vld [tilespmem:s21+$0x50]  }
0x76: {  	v0 =	vld [tilespmem:s20+$0xFFFFFFE0]  }
0x77: {  	s19 =	smul.u32 $0x50, s1;
	v3 =	vld [tilespmem:s21+$0xFFFFFFE0];
	[tilespmem:s23+$0xFFFFFF50] =	vst v2  }
0x78: {  	s17 =	simm.s32 $0x0;
	s9 =	simm.s32 $0x18A80;
	v2 =	vld [tilespmem:s20+$0xFFFFFF60];
	v6 =	vsub.f32 v7, v5  }
0x79: {  	s10 =	simm.s32 $0x1B080;
	s16 =	simm.s32 $0x1D880;
	s6 =	sadd.s32 s5, s19;
	v5 =	vld [tilespmem:s21+$0xFFFFFF60]  }
.LBB2_3:
0x7a: {  	v7 =	vld [tilespmem:s9+$0x80];
	v1 =	vsub.f32 v1, v4;
	[tilespmem:s23+$0xE0] =	vst v6  }
0x7b: {  	v4 =	vld [tilespmem:s20+$0xF0]  }
0x7c: {  	s10 =	sadd.s32 $0x200, s10;
	v0 =	vsub.f32 v0, v3;
	[tilespmem:s23+$0x50] =	vst v1;
	v1 =	vld [tilespmem:s21+$0xF0]  }
0x7d: {  	v3 =	vld [tilespmem:s10+$0x80]  }
0x7e: {  	v6 =	vld [tilespmem:s10+$0xFFFFFF00];
	v2 =	vsub.f32 v2, v5;
	[tilespmem:s23+$0xFFFFFFE0] =	vst v0  }
0x7f: {  	v0 =	vld [tilespmem:s9+$0xFFFFFF80]  }
0x80: {  	v5 =	vld [tilespmem:s10+$0xFFFFFF80];
	[tilespmem:s23+$0xFFFFFF60] =	vst v2  }
0x81: {  	v2 =	vld [tilespmem:s9+$0x0];
	v1 =	vsub.f32 v4, v1  }
0x82: {  	v4 =	vld [tilespmem:s10+$0x0];
	v3 =	vsub.f32 v7, v3  }
0x83: {  	s23 =	sadd.s32 $0x200, s23;
	v7 =	vld [tilespmem:s9+$0xFFFFFF00];
	[tilespmem:s16+$0xF0] =	vst v1  }
0x84: {  	s17 =	sadd.s32 $0x4, s17;
	[tilespmem:s23+$0x80] =	vst v3;
	v1 =	vld [tilespmem:s20+$0x60]  }
0x85: {  	p2 =	slt.u32 s17, $0x24;
	v0 =	vsub.f32 v0, v5;
	v3 =	vld [tilespmem:s9+$0x90]  }
0x86: {  	v5 =	vld [tilespmem:s10+$0x90]  }
0x87: {  	[tilespmem:s23+$0xFFFFFF80] =	vst v0;
	v0 =	vsub.f32 v2, v4;
	v2 =	vld [tilespmem:s21+$0x60]  }
0x88: {  	v4 =	vsub.f32 v7, v6;
	v6 =	vld [tilespmem:s9+$0xFFFFFF90]  }
0x89: {  	v7 =	vld [tilespmem:s10+$0xFFFFFF90];
	[tilespmem:s23+$0x0] =	vst v0  }
0x8a: {  	[tilespmem:s23+$0xFFFFFF00] =	vst v4;
	v0 =	vld [tilespmem:s9+$0x10]  }
0x8b: {  	v4 =	vld [tilespmem:s9+$0xFFFFFF10];
	v3 =	vsub.f32 v3, v5  }
0x8c: {  	v5 =	vld [tilespmem:s10+$0xFFFFFF10];
	v1 =	vsub.f32 v1, v2  }
0x8d: {  	v2 =	vld [tilespmem:s10+$0x10];
	[tilespmem:s23+$0x90] =	vst v3  }
0x8e: {  	v3 =	vsub.f32 v6, v7;
	v6 =	vld [tilespmem:s9+$0xA0];
	[tilespmem:s16+$0x60] =	vst v1  }
0x8f: {  	v1 =	vld [tilespmem:s10+$0xA0]  }
0x90: {  	[tilespmem:s23+$0xFFFFFF90] =	vst v3;
	v3 =	vld [tilespmem:s20+$0xFFFFFF70]  }
0x91: {  	v4 =	vsub.f32 v4, v5;
	v5 =	vld [tilespmem:s9+$0xFFFFFFA0]  }
0x92: {  	v7 =	vld [tilespmem:s10+$0xFFFFFFA0];
	v0 =	vsub.f32 v0, v2  }
0x93: {  	[tilespmem:s23+$0xFFFFFF10] =	vst v4;
	v2 =	vld [tilespmem:s21+$0xFFFFFF70]  }
0x94: {  	v4 =	vld [tilespmem:s9+$0xFFFFFF20];
	[tilespmem:s23+$0x10] =	vst v0;
	v0 =	vsub.f32 v6, v1  }
0x95: {  	v1 =	vld [tilespmem:s10+$0xFFFFFF20]  }
0x96: {  	v6 =	vld [tilespmem:s9+$0x20];
	[tilespmem:s23+$0xA0] =	vst v0  }
0x97: {  	v0 =	vsub.f32 v5, v7;
	v5 =	vld [tilespmem:s9+$0xB0]  }
0x98: {  	v7 =	vld [tilespmem:s10+$0xB0];
	v2 =	vsub.f32 v3, v2  }
0x99: {  	[tilespmem:s23+$0xFFFFFFA0] =	vst v0;
	v0 =	vld [tilespmem:s10+$0x20]  }
0x9a: {  	v1 =	vsub.f32 v4, v1;
	v3 =	vld [tilespmem:s9+$0xFFFFFFB0];
	[tilespmem:s16+$0xFFFFFF70] =	vst v2  }
0x9b: {  	v2 =	vld [tilespmem:s10+$0xFFFFFFB0]  }
0x9c: {  	[tilespmem:s23+$0xFFFFFF20] =	vst v1;
	v1 =	vld [tilespmem:s20+$0xFFFFFFF0]  }
0x9d: {  	v4 =	vld [tilespmem:s9+$0xFFFFFF30];
	v5 =	vsub.f32 v5, v7  }
0x9e: {  	v7 =	vld [tilespmem:s10+$0xFFFFFF30];
	v0 =	vsub.f32 v6, v0  }
0x9f: {  	[tilespmem:s23+$0xB0] =	vst v5;
	v5 =	vld [tilespmem:s21+$0xFFFFFFF0]  }
0xa0: {  	v2 =	vsub.f32 v3, v2;
	[tilespmem:s23+$0x20] =	vst v0;
	v0 =	vld [tilespmem:s9+$0xC0]  }
0xa1: {  	v3 =	vld [tilespmem:s10+$0xC0]  }
0xa2: {  	[tilespmem:s23+$0xFFFFFFB0] =	vst v2;
	v2 =	vld [tilespmem:s9+$0x30]  }
0xa3: {  	v4 =	vsub.f32 v4, v7;
	v6 =	vld [tilespmem:s10+$0x30]  }
0xa4: {  	v7 =	vld [tilespmem:s9+$0xFFFFFFC0];
	v1 =	vsub.f32 v1, v5  }
0xa5: {  	[tilespmem:s23+$0xFFFFFF30] =	vst v4;
	v4 =	vld [tilespmem:s10+$0xFFFFFFC0]  }
0xa6: {  	v5 =	vld [tilespmem:s9+$0xFFFFFF40];
	v0 =	vsub.f32 v0, v3;
	[tilespmem:s16+$0xFFFFFFF0] =	vst v1  }
0xa7: {  	v1 =	vld [tilespmem:s10+$0xFFFFFF40]  }
0xa8: {  	v2 =	vsub.f32 v2, v6;
	[tilespmem:s23+$0xC0] =	vst v0;
	v3 =	vld [tilespmem:s20+$0x70];
	s20 =	smov.u32 s9  }
0xa9: {  	v0 =	vld [tilespmem:s9+$0xD0]  }
0xaa: {  	v4 =	vsub.f32 v7, v4;
	[tilespmem:s23+$0x30] =	vst v2;
	v2 =	vld [tilespmem:s10+$0xD0]  }
0xab: {  	v6 =	vld [tilespmem:s9+$0x40]  }
0xac: {  	v1 =	vsub.f32 v5, v1;
	[tilespmem:s23+$0xFFFFFFC0] =	vst v4;
	v4 =	vld [tilespmem:s10+$0x40]  }
0xad: {  	v5 =	vld [tilespmem:s9+$0xFFFFFFD0]  }
0xae: {  	[tilespmem:s23+$0xFFFFFF40] =	vst v1;
	v1 =	vld [tilespmem:s10+$0xFFFFFFD0]  }
0xaf: {  	v7 =	vld [tilespmem:s9+$0xFFFFFF50];
	v0 =	vsub.f32 v0, v2  }
0xb0: {  	v2 =	vld [tilespmem:s10+$0xFFFFFF50]  }
0xb1: {  	v4 =	vsub.f32 v6, v4;
	[tilespmem:s23+$0xD0] =	vst v0;
	v6 =	vld [tilespmem:s21+$0x70];
	s21 =	smov.u32 s10  }
0xb2: {  	v8 =	vld [tilespmem:s9+$0xE0]  }
0xb3: {  	v0 =	vsub.f32 v5, v1;
	[tilespmem:s23+$0x40] =	vst v4;
	v5 =	vld [tilespmem:s10+$0xE0]  }
0xb4: {  	v1 =	vld [tilespmem:s9+$0x50]  }
.Ltmp2:
0xb5: {  	v2 =	vsub.f32 v7, v2;
	[tilespmem:s23+$0xFFFFFFD0] =	vst v0;
	v4 =	vld [tilespmem:s10+$0x50];
	(pc) =	sbr.rel @p2 .LBB2_3-.Ltmp2, $4  }
0xb6: {  	v0 =	vld [tilespmem:s9+$0xFFFFFFE0];
	v7 =	vsub.f32 v3, v6  }
0xb7: {  	[tilespmem:s23+$0xFFFFFF50] =	vst v2;
	v3 =	vld [tilespmem:s10+$0xFFFFFFE0]  }
0xb8: {  	v2 =	vld [tilespmem:s9+$0xFFFFFF60];
	v6 =	vsub.f32 v8, v5;
	[tilespmem:s16+$0x70] =	vst v7;
	s16 =	smov.u32 s23  }
0xb9: {  	s9 =	sadd.s32 $0x200, s9;
	v5 =	vld [tilespmem:s10+$0xFFFFFF60]  }
0xba: {  	v1 =	vsub.f32 v1, v4;
	_ =	sdelay $0x1  }
0xbb: {  	[tilespmem:s23+$0x50] =	vst v1  }
0xbc: {  	v1 =	vld [tilespmem:s20+$0x60]  }
0xbd: {  	v4 =	vld [tilespmem:s21+$0x60]  }
0xbe: {  	[tilespmem:s23+$0xE0] =	vst v6;
	v2 =	vsub.f32 v2, v5  }
0xbf: {  	v0 =	vsub.f32 v0, v3;
	v3 =	vld [tilespmem:s21+$0xF0]  }
0xc0: {  	v5 =	vld [tilespmem:s20+$0xF0];
	[tilespmem:s23+$0xFFFFFF60] =	vst v2  }
0xc1: {  	v2 =	vld [tilespmem:s20+$0xFFFFFF70]  }
0xc2: {  	[tilespmem:s23+$0xFFFFFFE0] =	vst v0;
	v0 =	vsub.f32 v1, v4;
	v1 =	vld [tilespmem:s21+$0xFFFFFF70]  }
0xc3: {  	v4 =	vld [tilespmem:s20+$0xFFFFFFF0]  }
0xc4: {  	[tilespmem:s16+$0x60] =	vst v0;
	v0 =	vld [tilespmem:s21+$0xFFFFFFF0]  }
0xc5: {  	v6 =	vld [tilespmem:s20+$0x70]  }
0xc6: {  	v7 =	vld [tilespmem:s21+$0x70];
	_ =	sdelay $0x1  }
0xc7: {  	v3 =	vsub.f32 v5, v3  }
0xc8: {  	v1 =	vsub.f32 v2, v1  }
0xc9: {  	[tilespmem:s16+$0xF0] =	vst v3;
	v0 =	vsub.f32 v4, v0  }
0xca: {  	[tilespmem:s16+$0xFFFFFF70] =	vst v1;
	v1 =	vsub.f32 v6, v7  }
0xcb: {  	s6 =	sshll.u32 s6, $0x4;
	[tilespmem:s16+$0xFFFFFFF0] =	vst v0  }
0xcc: {  	p2 =	seq.s32 s1, $0x7C;
	s6 =	sadd.s32 s2, s6;
	[tilespmem:s16+$0x70] =	vst v1  }
0xcd: {  	[hbm4b:s6+s4] =	stream.linear.scatter [tilespmem:s26], [sflag:$0x3], $0x1400, $0x38;
	[tilespmem:$0x1FF80] =	vst v63  }
0xce: {  	s9 =	simm.s32 @!p2 $0x28;
	s10 =	simm.s32 @!p2 $0x18780;
	s6 =	sadd.s32 @!p2 $0x138D0, s19  }
0xcf: {  	[tilespmem:s10], [sflag:$0x1] =	stream.indirect.gather @!p2 [spmem:s3], $0x80, s6, s9, $0xb8;
	[tilespmem:$0x1FF80] =	vst v63  }
0xd0: {  	s6 =	sadd.s32 @!p2 $0x16050, s19;
	s10 =	simm.s32 @!p2 $0x1AF80  }
0xd1: {  	[tilespmem:s10], [sflag:$0x1] =	stream.indirect.gather @!p2 [spmem:s3], $0x80, s6, s9, $0xb8;
	[tilespmem:$0x1FF80] =	vst v63  }
0xd2: {  	_ =	swait.ge [sflag:s28], $0x1400  }
0xd3: {  	[sflag:s28] =	ssyncset.done $0x0  }
0xd4: {  	[sflag:s28] =	ssyncadd.s32 $0xFFFFEC00  }
0xd5: {  	_ =	swait.ge [sflag:s28], $0x1400  }
0xd6: {  	[sflag:s28] =	ssyncset.done $0x0  }
0xd7: {  	s6 =	simm.s32 @!p1 $0x4;
	[sflag:s28] =	ssyncadd.s32 $0xFFFFEC00  }
0xd8: {  	_ =	swait.ge @!p1 [sflag:s6], $0x1400  }
0xd9: {  	[sflag:s6] =	ssyncset.done @!p1 $0x0  }
0xda: {  	s20 =	simm.s32 $0x19D70;
	[sflag:s6] =	ssyncadd.s32 @!p1 $0xFFFFEC00  }
0xdb: {  	s21 =	simm.s32 $0x1C570;
	v0 =	vld [tilespmem:s20+$0xFFFFFF90]  }
0xdc: {  	v1 =	vld [tilespmem:s21+$0xFFFFFF90];
	_ =	sdelay $0x2  }
0xdd: {  	v2 =	vld [tilespmem:s20+$0xFFFFFE90]  }
0xde: {  	v3 =	vld [tilespmem:s21+$0xFFFFFE90]  }
0xdf: {  	v4 =	vld [tilespmem:s21+$0xFFFFFE10];
	v0 =	vsub.f32 v0, v1  }
0xe0: {  	s23 =	simm.s32 $0x1ED70;
	v1 =	vld [tilespmem:s20+$0xFFFFFE10]  }
0xe1: {  	[tilespmem:s23+$0xFFFFFF90] =	vst v0  }
0xe2: {  	v0 =	vld [tilespmem:s20+$0xFFFFFFA0]  }
0xe3: {  	v2 =	vsub.f32 v2, v3;
	v3 =	vld [tilespmem:s21+$0xFFFFFFA0]  }
0xe4: {  	v5 =	vld [tilespmem:s20+$0xFFFFFF10]  }
0xe5: {  	v6 =	vld [tilespmem:s21+$0xFFFFFF10];
	[tilespmem:s23+$0xFFFFFE90] =	vst v2;
	v1 =	vsub.f32 v1, v4  }
0xe6: {  	v2 =	vld [tilespmem:s20+$0xFFFFFEA0]  }
0xe7: {  	v4 =	vld [tilespmem:s21+$0xFFFFFEA0];
	[tilespmem:s23+$0xFFFFFE10] =	vst v1  }
0xe8: {  	v1 =	vld [tilespmem:s20+$0xFFFFFE20];
	v0 =	vsub.f32 v0, v3  }
0xe9: {  	v3 =	vld [tilespmem:s21+$0xFFFFFE20]  }
0xea: {  	v5 =	vsub.f32 v5, v6;
	[tilespmem:s23+$0xFFFFFFA0] =	vst v0  }
0xeb: {  	v0 =	vld [tilespmem:s20+$0xFFFFFFB0]  }
0xec: {  	[tilespmem:s23+$0xFFFFFF10] =	vst v5;
	v2 =	vsub.f32 v2, v4;
	v4 =	vld [tilespmem:s21+$0xFFFFFFB0]  }
0xed: {  	v5 =	vld [tilespmem:s20+$0xFFFFFF20]  }
0xee: {  	v6 =	vld [tilespmem:s21+$0xFFFFFF20];
	[tilespmem:s23+$0xFFFFFEA0] =	vst v2;
	v1 =	vsub.f32 v1, v3  }
0xef: {  	v2 =	vld [tilespmem:s20+$0xFFFFFEB0]  }
0xf0: {  	v3 =	vld [tilespmem:s21+$0xFFFFFEB0];
	[tilespmem:s23+$0xFFFFFE20] =	vst v1  }
0xf1: {  	v1 =	vld [tilespmem:s20+$0xFFFFFE30];
	v0 =	vsub.f32 v0, v4  }
0xf2: {  	v4 =	vld [tilespmem:s21+$0xFFFFFE30]  }
0xf3: {  	v5 =	vsub.f32 v5, v6;
	[tilespmem:s23+$0xFFFFFFB0] =	vst v0  }
0xf4: {  	v0 =	vld [tilespmem:s20+$0xFFFFFFC0]  }
0xf5: {  	[tilespmem:s23+$0xFFFFFF20] =	vst v5;
	v2 =	vsub.f32 v2, v3;
	v3 =	vld [tilespmem:s21+$0xFFFFFFC0]  }
0xf6: {  	v5 =	vld [tilespmem:s20+$0xFFFFFF30]  }
0xf7: {  	[tilespmem:s23+$0xFFFFFEB0] =	vst v2;
	v2 =	vld [tilespmem:s21+$0xFFFFFF30];
	v1 =	vsub.f32 v1, v4  }
0xf8: {  	v4 =	vld [tilespmem:s20+$0xFFFFFEC0]  }
0xf9: {  	v6 =	vld [tilespmem:s21+$0xFFFFFEC0];
	[tilespmem:s23+$0xFFFFFE30] =	vst v1  }
0xfa: {  	v1 =	vld [tilespmem:s20+$0xFFFFFE40];
	v0 =	vsub.f32 v0, v3  }
0xfb: {  	v3 =	vld [tilespmem:s21+$0xFFFFFE40]  }
0xfc: {  	v2 =	vsub.f32 v5, v2;
	[tilespmem:s23+$0xFFFFFFC0] =	vst v0  }
0xfd: {  	v0 =	vld [tilespmem:s20+$0xFFFFFFD0]  }
0xfe: {  	v4 =	vsub.f32 v4, v6;
	[tilespmem:s23+$0xFFFFFF30] =	vst v2;
	v2 =	vld [tilespmem:s21+$0xFFFFFFD0]  }
0xff: {  	v5 =	vld [tilespmem:s20+$0xFFFFFF40]  }
0x100: {  	[tilespmem:s23+$0xFFFFFEC0] =	vst v4;
	v1 =	vsub.f32 v1, v3;
	v3 =	vld [tilespmem:s21+$0xFFFFFF40]  }
0x101: {  	v4 =	vld [tilespmem:s20+$0xFFFFFED0]  }
0x102: {  	[tilespmem:s23+$0xFFFFFE40] =	vst v1;
	v1 =	vld [tilespmem:s21+$0xFFFFFED0]  }
0x103: {  	v6 =	vld [tilespmem:s20+$0xFFFFFE50];
	v0 =	vsub.f32 v0, v2  }
0x104: {  	v2 =	vld [tilespmem:s21+$0xFFFFFE50]  }
0x105: {  	v3 =	vsub.f32 v5, v3;
	[tilespmem:s23+$0xFFFFFFD0] =	vst v0  }
0x106: {  	v0 =	vld [tilespmem:s20+$0xFFFFFFE0]  }
0x107: {  	v1 =	vsub.f32 v4, v1;
	[tilespmem:s23+$0xFFFFFF40] =	vst v3;
	v3 =	vld [tilespmem:s21+$0xFFFFFFE0]  }
0x108: {  	v4 =	vld [tilespmem:s20+$0xFFFFFF50]  }
0x109: {  	v2 =	vsub.f32 v6, v2;
	[tilespmem:s23+$0xFFFFFED0] =	vst v1;
	v1 =	vld [tilespmem:s21+$0xFFFFFF50]  }
0x10a: {  	v5 =	vld [tilespmem:s20+$0xFFFFFEE0]  }
0x10b: {  	[tilespmem:s23+$0xFFFFFE50] =	vst v2;
	v2 =	vld [tilespmem:s21+$0xFFFFFEE0]  }
0x10c: {  	v6 =	vld [tilespmem:s20+$0xFFFFFE60];
	v0 =	vsub.f32 v0, v3  }
0x10d: {  	v3 =	vld [tilespmem:s21+$0xFFFFFE60]  }
0x10e: {  	v1 =	vsub.f32 v4, v1;
	[tilespmem:s23+$0xFFFFFFE0] =	vst v0  }
0x10f: {  	v7 =	vld [tilespmem:s20+$0xFFFFFFF0]  }
0x110: {  	v0 =	vsub.f32 v5, v2;
	v5 =	vld [tilespmem:s21+$0xFFFFFFF0];
	[tilespmem:s23+$0xFFFFFF50] =	vst v1  }
0x111: {  	v1 =	vld [tilespmem:s20+$0xFFFFFF60]  }
0x112: {  	v2 =	vsub.f32 v6, v3;
	[tilespmem:s23+$0xFFFFFEE0] =	vst v0;
	v4 =	vld [tilespmem:s21+$0xFFFFFF60]  }
0x113: {  	v0 =	vld [tilespmem:s20+$0xFFFFFEF0]  }
0x114: {  	v3 =	vld [tilespmem:s21+$0xFFFFFEF0];
	[tilespmem:s23+$0xFFFFFE60] =	vst v2  }
0x115: {  	s17 =	simm.s32 $0x0;
	s16 =	simm.s32 $0x1ED70;
	v2 =	vld [tilespmem:s20+$0xFFFFFE70];
	v6 =	vsub.f32 v7, v5  }
0x116: {  	s9 =	simm.s32 $0x19F70;
	s10 =	simm.s32 $0x1C570;
	s6 =	sadd.s32 s19, s11;
	v5 =	vld [tilespmem:s21+$0xFFFFFE70]  }
.LBB2_5:
0x117: {  	v7 =	vld [tilespmem:s9+$0xFFFFFF90];
	v1 =	vsub.f32 v1, v4;
	[tilespmem:s23+$0xFFFFFFF0] =	vst v6  }
0x118: {  	v4 =	vld [tilespmem:s20+$0x0]  }
0x119: {  	s10 =	sadd.s32 $0x200, s10;
	v0 =	vsub.f32 v0, v3;
	[tilespmem:s23+$0xFFFFFF60] =	vst v1;
	v1 =	vld [tilespmem:s21+$0x0]  }
0x11a: {  	v3 =	vld [tilespmem:s10+$0xFFFFFF90]  }
0x11b: {  	v6 =	vld [tilespmem:s10+$0xFFFFFE10];
	v2 =	vsub.f32 v2, v5;
	[tilespmem:s23+$0xFFFFFEF0] =	vst v0  }
0x11c: {  	v0 =	vld [tilespmem:s9+$0xFFFFFE90]  }
0x11d: {  	v5 =	vld [tilespmem:s10+$0xFFFFFE90];
	[tilespmem:s23+$0xFFFFFE70] =	vst v2  }
0x11e: {  	v2 =	vld [tilespmem:s9+$0xFFFFFF10];
	v1 =	vsub.f32 v4, v1  }
0x11f: {  	v4 =	vld [tilespmem:s10+$0xFFFFFF10];
	v3 =	vsub.f32 v7, v3  }
0x120: {  	s23 =	sadd.s32 $0x200, s23;
	v7 =	vld [tilespmem:s9+$0xFFFFFE10];
	[tilespmem:s16+$0x0] =	vst v1  }
0x121: {  	s17 =	sadd.s32 $0x4, s17;
	[tilespmem:s23+$0xFFFFFF90] =	vst v3;
	v1 =	vld [tilespmem:s20+$0xFFFFFF70]  }
0x122: {  	p1 =	slt.u32 s17, $0x24;
	v0 =	vsub.f32 v0, v5;
	v3 =	vld [tilespmem:s9+$0xFFFFFFA0]  }
0x123: {  	v5 =	vld [tilespmem:s10+$0xFFFFFFA0]  }
0x124: {  	[tilespmem:s23+$0xFFFFFE90] =	vst v0;
	v0 =	vsub.f32 v2, v4;
	v2 =	vld [tilespmem:s21+$0xFFFFFF70]  }
0x125: {  	v4 =	vsub.f32 v7, v6;
	v6 =	vld [tilespmem:s9+$0xFFFFFEA0]  }
0x126: {  	v7 =	vld [tilespmem:s10+$0xFFFFFEA0];
	[tilespmem:s23+$0xFFFFFF10] =	vst v0  }
0x127: {  	[tilespmem:s23+$0xFFFFFE10] =	vst v4;
	v0 =	vld [tilespmem:s9+$0xFFFFFF20]  }
0x128: {  	v4 =	vld [tilespmem:s9+$0xFFFFFE20];
	v3 =	vsub.f32 v3, v5  }
0x129: {  	v5 =	vld [tilespmem:s10+$0xFFFFFE20];
	v1 =	vsub.f32 v1, v2  }
0x12a: {  	v2 =	vld [tilespmem:s10+$0xFFFFFF20];
	[tilespmem:s23+$0xFFFFFFA0] =	vst v3  }
0x12b: {  	v3 =	vsub.f32 v6, v7;
	v6 =	vld [tilespmem:s9+$0xFFFFFFB0];
	[tilespmem:s16+$0xFFFFFF70] =	vst v1  }
0x12c: {  	v1 =	vld [tilespmem:s10+$0xFFFFFFB0]  }
0x12d: {  	[tilespmem:s23+$0xFFFFFEA0] =	vst v3;
	v3 =	vld [tilespmem:s20+$0xFFFFFE80]  }
0x12e: {  	v4 =	vsub.f32 v4, v5;
	v5 =	vld [tilespmem:s9+$0xFFFFFEB0]  }
0x12f: {  	v7 =	vld [tilespmem:s10+$0xFFFFFEB0];
	v0 =	vsub.f32 v0, v2  }
0x130: {  	[tilespmem:s23+$0xFFFFFE20] =	vst v4;
	v2 =	vld [tilespmem:s21+$0xFFFFFE80]  }
0x131: {  	v4 =	vld [tilespmem:s9+$0xFFFFFE30];
	[tilespmem:s23+$0xFFFFFF20] =	vst v0;
	v0 =	vsub.f32 v6, v1  }
0x132: {  	v1 =	vld [tilespmem:s10+$0xFFFFFE30]  }
0x133: {  	v6 =	vld [tilespmem:s9+$0xFFFFFF30];
	[tilespmem:s23+$0xFFFFFFB0] =	vst v0  }
0x134: {  	v0 =	vsub.f32 v5, v7;
	v5 =	vld [tilespmem:s9+$0xFFFFFFC0]  }
0x135: {  	v7 =	vld [tilespmem:s10+$0xFFFFFFC0];
	v2 =	vsub.f32 v3, v2  }
0x136: {  	[tilespmem:s23+$0xFFFFFEB0] =	vst v0;
	v0 =	vld [tilespmem:s10+$0xFFFFFF30]  }
0x137: {  	v1 =	vsub.f32 v4, v1;
	v3 =	vld [tilespmem:s9+$0xFFFFFEC0];
	[tilespmem:s16+$0xFFFFFE80] =	vst v2  }
0x138: {  	v2 =	vld [tilespmem:s10+$0xFFFFFEC0]  }
0x139: {  	[tilespmem:s23+$0xFFFFFE30] =	vst v1;
	v1 =	vld [tilespmem:s20+$0xFFFFFF00]  }
0x13a: {  	v4 =	vld [tilespmem:s9+$0xFFFFFE40];
	v5 =	vsub.f32 v5, v7  }
0x13b: {  	v7 =	vld [tilespmem:s10+$0xFFFFFE40];
	v0 =	vsub.f32 v6, v0  }
0x13c: {  	[tilespmem:s23+$0xFFFFFFC0] =	vst v5;
	v5 =	vld [tilespmem:s21+$0xFFFFFF00]  }
0x13d: {  	v2 =	vsub.f32 v3, v2;
	[tilespmem:s23+$0xFFFFFF30] =	vst v0;
	v0 =	vld [tilespmem:s9+$0xFFFFFFD0]  }
0x13e: {  	v3 =	vld [tilespmem:s10+$0xFFFFFFD0]  }
0x13f: {  	[tilespmem:s23+$0xFFFFFEC0] =	vst v2;
	v2 =	vld [tilespmem:s9+$0xFFFFFF40]  }
0x140: {  	v4 =	vsub.f32 v4, v7;
	v6 =	vld [tilespmem:s10+$0xFFFFFF40]  }
0x141: {  	v7 =	vld [tilespmem:s9+$0xFFFFFED0];
	v1 =	vsub.f32 v1, v5  }
0x142: {  	[tilespmem:s23+$0xFFFFFE40] =	vst v4;
	v4 =	vld [tilespmem:s10+$0xFFFFFED0]  }
0x143: {  	v5 =	vld [tilespmem:s9+$0xFFFFFE50];
	v0 =	vsub.f32 v0, v3;
	[tilespmem:s16+$0xFFFFFF00] =	vst v1  }
0x144: {  	v1 =	vld [tilespmem:s10+$0xFFFFFE50]  }
0x145: {  	v2 =	vsub.f32 v2, v6;
	[tilespmem:s23+$0xFFFFFFD0] =	vst v0;
	v3 =	vld [tilespmem:s20+$0xFFFFFF80];
	s20 =	smov.u32 s9  }
0x146: {  	v0 =	vld [tilespmem:s9+$0xFFFFFFE0]  }
0x147: {  	v4 =	vsub.f32 v7, v4;
	[tilespmem:s23+$0xFFFFFF40] =	vst v2;
	v2 =	vld [tilespmem:s10+$0xFFFFFFE0]  }
0x148: {  	v6 =	vld [tilespmem:s9+$0xFFFFFF50]  }
0x149: {  	v1 =	vsub.f32 v5, v1;
	[tilespmem:s23+$0xFFFFFED0] =	vst v4;
	v4 =	vld [tilespmem:s10+$0xFFFFFF50]  }
0x14a: {  	v5 =	vld [tilespmem:s9+$0xFFFFFEE0]  }
0x14b: {  	[tilespmem:s23+$0xFFFFFE50] =	vst v1;
	v1 =	vld [tilespmem:s10+$0xFFFFFEE0]  }
0x14c: {  	v7 =	vld [tilespmem:s9+$0xFFFFFE60];
	v0 =	vsub.f32 v0, v2  }
0x14d: {  	v2 =	vld [tilespmem:s10+$0xFFFFFE60]  }
0x14e: {  	v4 =	vsub.f32 v6, v4;
	[tilespmem:s23+$0xFFFFFFE0] =	vst v0;
	v6 =	vld [tilespmem:s21+$0xFFFFFF80];
	s21 =	smov.u32 s10  }
0x14f: {  	v8 =	vld [tilespmem:s9+$0xFFFFFFF0]  }
0x150: {  	v0 =	vsub.f32 v5, v1;
	[tilespmem:s23+$0xFFFFFF50] =	vst v4;
	v5 =	vld [tilespmem:s10+$0xFFFFFFF0]  }
0x151: {  	v1 =	vld [tilespmem:s9+$0xFFFFFF60]  }
.Ltmp3:
0x152: {  	v2 =	vsub.f32 v7, v2;
	[tilespmem:s23+$0xFFFFFEE0] =	vst v0;
	v4 =	vld [tilespmem:s10+$0xFFFFFF60];
	(pc) =	sbr.rel @p1 .LBB2_5-.Ltmp3, $4  }
0x153: {  	v0 =	vld [tilespmem:s9+$0xFFFFFEF0];
	v7 =	vsub.f32 v3, v6  }
0x154: {  	[tilespmem:s23+$0xFFFFFE60] =	vst v2;
	v3 =	vld [tilespmem:s10+$0xFFFFFEF0]  }
0x155: {  	v2 =	vld [tilespmem:s9+$0xFFFFFE70];
	v6 =	vsub.f32 v8, v5;
	[tilespmem:s16+$0xFFFFFF80] =	vst v7;
	s16 =	smov.u32 s23  }
0x156: {  	s9 =	sadd.s32 $0x200, s9;
	v5 =	vld [tilespmem:s10+$0xFFFFFE70]  }
0x157: {  	v1 =	vsub.f32 v1, v4;
	_ =	sdelay $0x1  }
0x158: {  	[tilespmem:s23+$0xFFFFFF60] =	vst v1  }
0x159: {  	v1 =	vld [tilespmem:s20+$0xFFFFFF70]  }
0x15a: {  	v55 =	vld [tilespmem:s21+$0xFFFFFF70]  }
0x15b: {  	[tilespmem:s23+$0xFFFFFFF0] =	vst v6;
	v0 =	vsub.f32 v0, v3  }
0x15c: {  	v56 =	vld [tilespmem:s20+$0x0]  }
0x15d: {  	v57 =	vld [tilespmem:s21+$0x0];
	v2 =	vsub.f32 v2, v5;
	[tilespmem:s23+$0xFFFFFEF0] =	vst v0  }
0x15e: {  	v60 =	vld [tilespmem:s20+$0xFFFFFF00]  }
0x15f: {  	v61 =	vld [tilespmem:s21+$0xFFFFFF00];
	[tilespmem:s23+$0xFFFFFE70] =	vst v2;
	v58 =	vsub.f32 v1, v55  }
0x160: {  	v2 =	vld [tilespmem:s20+$0xFFFFFE80]  }
0x161: {  	v59 =	vld [tilespmem:s21+$0xFFFFFE80];
	[tilespmem:s16+$0xFFFFFF70] =	vst v58  }
0x162: {  	v62 =	vld [tilespmem:s20+$0xFFFFFF80]  }
0x163: {  	v7 =	vld [tilespmem:s21+$0xFFFFFF80];
	_ =	sdelay $0x1  }
0x164: {  	v3 =	vsub.f32 v56, v57  }
0x165: {  	v0 =	vsub.f32 v60, v61  }
.Ltmp4:
0x166: {  	[tilespmem:s16+$0x0] =	vst v3;
	v1 =	vsub.f32 v2, v59;
	(pc) =	sbr.rel @p2 .LBB2_8-.Ltmp4, $4  }
0x167: {  	[tilespmem:s16+$0xFFFFFF00] =	vst v0;
	v63 =	vsub.f32 v62, v7  }
0x168: {  	s6 =	sshll.u32 s6, $0x4;
	[tilespmem:s16+$0xFFFFFE80] =	vst v1  }
0x169: {  	s6 =	sadd.s32 s2, s6;
	[tilespmem:s16+$0xFFFFFF80] =	vst v63  }
0x16a: {  	[hbm4b:s6+s4] =	stream.linear.scatter [tilespmem:s29], [sflag:$0x4], $0x1400, $0x38;
	[tilespmem:$0x1FF80] =	vst v63  }
.Ltmp5:
0x16b: {  	(pc) =	sbr.rel .LBB2_2-.Ltmp5, $4  }
0x16c: {  	s6 =	sadd.s32 $0x138F8, s19  }
0x16d: {  	[tilespmem:s22], [sflag:$0x2] =	stream.indirect.gather [spmem:s3], $0x80, s6, s18, $0xb8;
	[tilespmem:$0x1FF80] =	vst v63  }
0x16e: {  	s23 =	sadd.s32 $0x16078, s19;
	s1 =	sadd.s32 $0x1, s1  }
0x16f: {  	[tilespmem:s24], [sflag:$0x2] =	stream.indirect.gather [spmem:s3], $0x80, s23, s18, $0xb8;
	[tilespmem:$0x1FF80] =	vst v63  }
.LBB2_9:
0x170: {  	_ =	sfence.sel $0x180000  }
0x171: {  	[bflag:$0x0] =	sbarrier.arrive $0xFFFF  }
0x172: {  	_ =	strace $0x90000047  }
0x173: {  	s0 =	stileid.u32;
	[bflag:$0x2] =	sbarrier.arrive $0xFFFF  }
0x174: {  	p0 =	sne.s32 s0, $0x0;
	s0 =	rddreg [dreg:$0x4]  }
0x175: {  	s0 =	sadd.s32 @!p0 $0x100000, s0  }
0x176: {  	[sflag:s0] =	ssyncadd.tile.s32 @!p0 $0x1;
	_ =	shalt  }
.Lfunc_end2:
_tile_overlayer_lowered:
.L_overlay_start_2:
0x177: {  	(tag) =	ssettag $0x2  }
0x178: {  	s0 =	rddreg [dreg:$0x0];
	s2 =	stileid.u32  }
0x179: {  	s1 =	rddreg [dreg:$0x1];
	p0 =	sne.s32 s2, $0x0  }
0x17a: {  	s3 =	rddreg [dreg:$0x2];
	[bflag:$0x3] =	sbarrier.arrive $0xFFFF;
	s2 =	simm.s32 @!p0 $0x1C05  }
0x17b: {  	[timem:s3], [sflag:s2] =	dma.local @!p0 [hbm:s0], s1  }
0x17c: {  	s0 =	simm.s32 @!p0 $0x5  }
0x17d: {  	_ =	swait.ge @!p0 [sflag:s0], s1  }
0x17e: {  	s1 =	ssub.s32 @!p0 $0x0, s1;
	[sflag:s0] =	ssyncset.done @!p0 $0x0  }
0x17f: {  	[sflag:s0] =	ssyncadd.s32 @!p0 s1  }
0x180: {  	[bflag:$0x3] =	sbarrier.arrive $0xFFFF  }
0x181: {  	_ =	shalt  }

</sc_bundles>
